<compile_context>
chip_gen: v7x
topology: tpu7x:2x2x1
jax: 0.10.2.dev20260603
libtpu: 0.0.44.dev20260713+nightly
codegen_flags: <defaults>
</compile_context>

<pallas_src>
import functools

import jax
import jax.numpy as jnp
from jax import lax
from jax.experimental import pallas as pl
from jax.experimental.pallas import tpu as pltpu
from jax.experimental.pallas import tpu_sc as plsc

NUM_USER = 1000000
NUM_ITEM = 1000000
EMB_DIM = 32
BATCH = 16384

_NC, _NS, _L = 2, 16, 16
_NW = _NC * _NS
_CHUNK = BATCH // _NW
_GROUPS = _CHUNK // _L


def _rsqrt(x):
    i = plsc.bitcast(x, jnp.int32)
    i = 0x5F3759DF - (i >> 1)
    y = plsc.bitcast(i, jnp.float32)
    for _ in range(3):
        y = y * (1.5 - 0.5 * x * y * y)
    return y


def _scale(ns):
    norm = ns * _rsqrt(ns)
    return jnp.where(ns > 1.0, 1.0 / (norm + 1e-7), jnp.float32(1.0))


def _bpr_body(uidx_hbm, pidx_hbm, nidx_hbm, user_hbm, item_hbm, out_hbm,
              uidx_v, pidx_v, nidx_v, u_rows, p_rows, n_rows, out_v, sem):
    wid = lax.axis_index("s") * _NC + lax.axis_index("c")
    base = wid * _CHUNK

    pltpu.sync_copy(uidx_hbm.at[pl.ds(base, _CHUNK)], uidx_v)
    pltpu.sync_copy(pidx_hbm.at[pl.ds(base, _CHUNK)], pidx_v)
    pltpu.sync_copy(nidx_hbm.at[pl.ds(base, _CHUNK)], nidx_v)

    cu = pltpu.async_copy(user_hbm.at[uidx_v], u_rows, sem)
    cp = pltpu.async_copy(item_hbm.at[pidx_v], p_rows, sem)
    cn = pltpu.async_copy(item_hbm.at[nidx_v], n_rows, sem)
    cu.wait()
    cp.wait()
    cn.wait()

    lane = lax.iota(jnp.int32, _L)

    def group(g, carry):
        rows = jnp.full((_L,), g * _L, jnp.int32) + lane
        zero = jnp.zeros((_L,), jnp.float32)
        ns_u = ns_p = ns_n = dp = dn = zero
        for d in range(EMB_DIM):
            col = jnp.full((_L,), d, jnp.int32)
            u = plsc.load_gather(u_rows, [rows, col])
            p = plsc.load_gather(p_rows, [rows, col])
            n = plsc.load_gather(n_rows, [rows, col])
            ns_u = ns_u + u * u
            ns_p = ns_p + p * p
            ns_n = ns_n + n * n
            dp = dp + u * p
            dn = dn + u * n
        su = _scale(ns_u)
        sp = _scale(ns_p)
        sn = _scale(ns_n)
        x = su * (sp * dp - sn * dn)
        out_v[pl.ds(g * _L, _L)] = 1.0 / (1.0 + jnp.exp(-x))
        return carry

    lax.fori_loop(0, _GROUPS, group, 0, unroll=False)
    pltpu.sync_copy(out_v, out_hbm.at[pl.ds(base, _CHUNK)])


def kernel(positive, negative, user_track_count, user_table, item_table):
    del user_track_count
    uidx = positive[:, 0].astype(jnp.int32)
    pidx = positive[:, 1].astype(jnp.int32)
    nidx = negative[:, 1].astype(jnp.int32)

    mesh = plsc.VectorSubcoreMesh(core_axis_name="c", subcore_axis_name="s")
    run = pl.kernel(
        _bpr_body,
        out_type=jax.ShapeDtypeStruct((BATCH,), jnp.float32),
        mesh=mesh,
        compiler_params=pltpu.CompilerParams(
            needs_layout_passes=False, use_tc_tiling_on_sc=False),
        scratch_types=[
            pltpu.VMEM((_CHUNK,), jnp.int32),
            pltpu.VMEM((_CHUNK,), jnp.int32),
            pltpu.VMEM((_CHUNK,), jnp.int32),
            pltpu.VMEM((_CHUNK, EMB_DIM), jnp.float32),
            pltpu.VMEM((_CHUNK, EMB_DIM), jnp.float32),
            pltpu.VMEM((_CHUNK, EMB_DIM), jnp.float32),
            pltpu.VMEM((_CHUNK,), jnp.float32),
            pltpu.SemaphoreType.DMA,
        ],
    )
    return run(uidx, pidx, nidx, user_table, item_table)

# --- scband reference (transcript-rebuilt; emitter-appended) ---
"""Pipeline reference for scband-bpr-63084479644182 (READ-ONLY COPY).

The authoritative reference and input builder live on the scoring server;
editing this copy changes nothing except your own understanding.
"""

import jax, jax.numpy as jnp
import numpy as np

NUM_USER = 1000000
NUM_ITEM = 1000000
EMB_DIM = 32
BATCH = 16384

def _maxnorm_rows(e, max_norm=1.0):
    # Emulates torch nn.Embedding(max_norm=1.0): gathered rows with norm > max_norm
    # are renormalized to have norm max_norm.
    n = jnp.linalg.norm(e, axis=-1, keepdims=True)
    scale = jnp.where(n > max_norm, max_norm / (n + 1e-7), jnp.ones_like(n))
    return e * scale

def setup_inputs(seed: int = 0) -> dict:
    key = jax.random.key(seed)
    k1, k2, k3, k4, k5 = jax.random.split(key, 5)
    positive = jax.random.randint(k1, (BATCH, 2), 0, NUM_USER, dtype=jnp.int64)
    negative = jax.random.randint(k2, (BATCH, 2), 0, NUM_ITEM, dtype=jnp.int64)
    user_track_count = jax.random.randint(k3, (BATCH,), 0, 100, dtype=jnp.int64)
    user_table = jax.random.normal(k4, (NUM_USER, EMB_DIM), dtype=jnp.float32)
    item_table = jax.random.normal(k5, (NUM_ITEM, EMB_DIM), dtype=jnp.float32)
    return {"positive": positive, "negative": negative,
            "user_track_count": user_track_count,
            "user_table": user_table, "item_table": item_table}

def reference(positive, negative, user_track_count, user_table, item_table):
    # user_track_count is accepted (matches torch forward signature) but unused.
    positive_user = _maxnorm_rows(jnp.take(user_table, positive[:, 0], axis=0))
    negative_user = _maxnorm_rows(jnp.take(user_table, negative[:, 0], axis=0))  # computed as in torch forward (unused downstream)
    positive_item = _maxnorm_rows(jnp.take(item_table, positive[:, 1], axis=0))
    negative_item = _maxnorm_rows(jnp.take(item_table, negative[:, 1], axis=0))
    positive_output = jnp.sum(positive_user * positive_item, axis=1)
    negative_output = jnp.sum(positive_user * negative_item, axis=1)
    subtraction = positive_output - negative_output
    return jax.nn.sigmoid(subtraction)

if __name__ == "__main__":
    import jax
    _d = setup_inputs()
    print(jax.jit(kernel)(*tuple(_d.values())))

</pallas_src>

<mosaic_0001>
#map = affine_map<(d0, d1) -> (0)>
#map1 = affine_map<(d0, d1) -> (0, 0)>
module attributes {stable_mosaic.version = 14 : i64} {
  func.func @_bpr_body(%arg0: i32, %arg1: i32, %arg2: memref<16384xi32, #tpu.memory_space<hbm>>, %arg3: memref<16384xi32, #tpu.memory_space<hbm>>, %arg4: memref<16384xi32, #tpu.memory_space<hbm>>, %arg5: memref<1000000x32xf32, #tpu.memory_space<hbm>>, %arg6: memref<1000000x32xf32, #tpu.memory_space<hbm>>, %arg7: memref<16384xf32, #tpu.memory_space<hbm>>, %arg8: memref<512xi32, #tpu.memory_space<vmem>>, %arg9: memref<512xi32, #tpu.memory_space<vmem>>, %arg10: memref<512xi32, #tpu.memory_space<vmem>>, %arg11: memref<512x32xf32, #tpu.memory_space<vmem>>, %arg12: memref<512x32xf32, #tpu.memory_space<vmem>>, %arg13: memref<512x32xf32, #tpu.memory_space<vmem>>, %arg14: memref<512xf32, #tpu.memory_space<vmem>>, %arg15: memref<!tpu.dma_semaphore, #tpu.memory_space<semaphore_mem>>) attributes {dimension_semantics = [#tpu.dimension_semantics<core_parallel>, #tpu.dimension_semantics<subcore_parallel>], iteration_bounds = array<i64: 2, 16>, scalar_prefetch = 0 : i64, scratch_operands = 8 : i64, tpu.core_type = #tpu.core_type<sc_vector_subcore>, window_params = [{transform_indices = #map}, {transform_indices = #map}, {transform_indices = #map}, {transform_indices = #map1}, {transform_indices = #map1}, {transform_indices = #map}]} {
    %mul3A = arith.constant 2 : i32
    %mul3A_0 = arith.muli %arg1, %mul3A : i32
    %add3A = arith.addi %mul3A_0, %arg0 : i32
    %mul3A_1 = arith.constant 512 : i32
    %mul3A_2 = arith.muli %add3A, %mul3A_1 : i32
    "tpu.region"() ({
      %run_scoped3A = tpu.sem_alloc : memref<!tpu.dma_semaphore, #tpu.memory_space<semaphore_mem>>
      %dma_start3A_24 = tpu.memref_slice %arg2[%mul3A_2] : memref<16384xi32, #tpu.memory_space<hbm>> -> memref<512xi32, #tpu.memory_space<hbm>>
      %dma_start3A_25 = tpu.memref_slice %arg2[%mul3A_2] : memref<16384xi32, #tpu.memory_space<hbm>> -> memref<512xi32, #tpu.memory_space<hbm>>
      tpu.enqueue_dma source(%dma_start3A_25 : memref<512xi32, #tpu.memory_space<hbm>>) target(%arg8 : memref<512xi32, #tpu.memory_space<vmem>>) target_semaphore(%run_scoped3A : memref<!tpu.dma_semaphore, #tpu.memory_space<semaphore_mem>>)
      %dma_wait3A_26 = tpu.memref_slice %arg2[%mul3A_2] : memref<16384xi32, #tpu.memory_space<hbm>> -> memref<512xi32, #tpu.memory_space<hbm>>
      %dma_wait3A_27 = tpu.memref_slice %arg2[%mul3A_2] : memref<16384xi32, #tpu.memory_space<hbm>> -> memref<512xi32, #tpu.memory_space<hbm>>
      tpu.wait_dma2 semaphore(%run_scoped3A : memref<!tpu.dma_semaphore, #tpu.memory_space<semaphore_mem>>) src(%dma_wait3A_27 : memref<512xi32, #tpu.memory_space<hbm>>) dst(%arg8 : memref<512xi32, #tpu.memory_space<vmem>>)
      tpu.yield
    }) : () -> ()
    "tpu.region"() ({
      %run_scoped3A = tpu.sem_alloc : memref<!tpu.dma_semaphore, #tpu.memory_space<semaphore_mem>>
      %dma_start3A_24 = tpu.memref_slice %arg3[%mul3A_2] : memref<16384xi32, #tpu.memory_space<hbm>> -> memref<512xi32, #tpu.memory_space<hbm>>
      %dma_start3A_25 = tpu.memref_slice %arg3[%mul3A_2] : memref<16384xi32, #tpu.memory_space<hbm>> -> memref<512xi32, #tpu.memory_space<hbm>>
      tpu.enqueue_dma source(%dma_start3A_25 : memref<512xi32, #tpu.memory_space<hbm>>) target(%arg9 : memref<512xi32, #tpu.memory_space<vmem>>) target_semaphore(%run_scoped3A : memref<!tpu.dma_semaphore, #tpu.memory_space<semaphore_mem>>)
      %dma_wait3A_26 = tpu.memref_slice %arg3[%mul3A_2] : memref<16384xi32, #tpu.memory_space<hbm>> -> memref<512xi32, #tpu.memory_space<hbm>>
      %dma_wait3A_27 = tpu.memref_slice %arg3[%mul3A_2] : memref<16384xi32, #tpu.memory_space<hbm>> -> memref<512xi32, #tpu.memory_space<hbm>>
      tpu.wait_dma2 semaphore(%run_scoped3A : memref<!tpu.dma_semaphore, #tpu.memory_space<semaphore_mem>>) src(%dma_wait3A_27 : memref<512xi32, #tpu.memory_space<hbm>>) dst(%arg9 : memref<512xi32, #tpu.memory_space<vmem>>)
      tpu.yield
    }) : () -> ()
    "tpu.region"() ({
      %run_scoped3A = tpu.sem_alloc : memref<!tpu.dma_semaphore, #tpu.memory_space<semaphore_mem>>
      %dma_start3A_24 = tpu.memref_slice %arg4[%mul3A_2] : memref<16384xi32, #tpu.memory_space<hbm>> -> memref<512xi32, #tpu.memory_space<hbm>>
      %dma_start3A_25 = tpu.memref_slice %arg4[%mul3A_2] : memref<16384xi32, #tpu.memory_space<hbm>> -> memref<512xi32, #tpu.memory_space<hbm>>
      tpu.enqueue_dma source(%dma_start3A_25 : memref<512xi32, #tpu.memory_space<hbm>>) target(%arg10 : memref<512xi32, #tpu.memory_space<vmem>>) target_semaphore(%run_scoped3A : memref<!tpu.dma_semaphore, #tpu.memory_space<semaphore_mem>>)
      %dma_wait3A_26 = tpu.memref_slice %arg4[%mul3A_2] : memref<16384xi32, #tpu.memory_space<hbm>> -> memref<512xi32, #tpu.memory_space<hbm>>
      %dma_wait3A_27 = tpu.memref_slice %arg4[%mul3A_2] : memref<16384xi32, #tpu.memory_space<hbm>> -> memref<512xi32, #tpu.memory_space<hbm>>
      tpu.wait_dma2 semaphore(%run_scoped3A : memref<!tpu.dma_semaphore, #tpu.memory_space<semaphore_mem>>) src(%dma_wait3A_27 : memref<512xi32, #tpu.memory_space<hbm>>) dst(%arg10 : memref<512xi32, #tpu.memory_space<vmem>>)
      tpu.yield
    }) : () -> ()
    %dma_start3A = arith.constant 0 : i32
    %dma_start3A_3 = arith.constant 0 : i32
    %dma_start3A_4 = tpu.memref_slice %arg5[%dma_start3A, %dma_start3A_3] : memref<1000000x32xf32, #tpu.memory_space<hbm>> -> memref<1000000x32xf32, #tpu.memory_space<hbm>>
    tpu.enqueue_indirect_dma source(%dma_start3A_4 : memref<1000000x32xf32, #tpu.memory_space<hbm>>) target(%arg11 : memref<512x32xf32, #tpu.memory_space<vmem>>) offsets(%arg8 : memref<512xi32, #tpu.memory_space<vmem>>) semaphore(%arg15 : memref<!tpu.dma_semaphore, #tpu.memory_space<semaphore_mem>>)
    %dma_start3A_5 = arith.constant 0 : i32
    %dma_start3A_6 = arith.constant 0 : i32
    %dma_start3A_7 = tpu.memref_slice %arg6[%dma_start3A_5, %dma_start3A_6] : memref<1000000x32xf32, #tpu.memory_space<hbm>> -> memref<1000000x32xf32, #tpu.memory_space<hbm>>
    tpu.enqueue_indirect_dma source(%dma_start3A_7 : memref<1000000x32xf32, #tpu.memory_space<hbm>>) target(%arg12 : memref<512x32xf32, #tpu.memory_space<vmem>>) offsets(%arg9 : memref<512xi32, #tpu.memory_space<vmem>>) semaphore(%arg15 : memref<!tpu.dma_semaphore, #tpu.memory_space<semaphore_mem>>)
    %dma_start3A_8 = arith.constant 0 : i32
    %dma_start3A_9 = arith.constant 0 : i32
    %dma_start3A_10 = tpu.memref_slice %arg6[%dma_start3A_8, %dma_start3A_9] : memref<1000000x32xf32, #tpu.memory_space<hbm>> -> memref<1000000x32xf32, #tpu.memory_space<hbm>>
    tpu.enqueue_indirect_dma source(%dma_start3A_10 : memref<1000000x32xf32, #tpu.memory_space<hbm>>) target(%arg13 : memref<512x32xf32, #tpu.memory_space<vmem>>) offsets(%arg10 : memref<512xi32, #tpu.memory_space<vmem>>) semaphore(%arg15 : memref<!tpu.dma_semaphore, #tpu.memory_space<semaphore_mem>>)
    %dma_wait3A = arith.constant 0 : i32
    %dma_wait3A_11 = arith.constant 0 : i32
    %dma_wait3A_12 = tpu.memref_slice %arg5[%dma_wait3A, %dma_wait3A_11] : memref<1000000x32xf32, #tpu.memory_space<hbm>> -> memref<1000000x32xf32, #tpu.memory_space<hbm>>
    tpu.wait_indirect_dma semaphore(%arg15 : memref<!tpu.dma_semaphore, #tpu.memory_space<semaphore_mem>>) src(%dma_wait3A_12 : memref<1000000x32xf32, #tpu.memory_space<hbm>>) dst(%arg11 : memref<512x32xf32, #tpu.memory_space<vmem>>)
    %dma_wait3A_13 = arith.constant 0 : i32
    %dma_wait3A_14 = arith.constant 0 : i32
    %dma_wait3A_15 = tpu.memref_slice %arg6[%dma_wait3A_13, %dma_wait3A_14] : memref<1000000x32xf32, #tpu.memory_space<hbm>> -> memref<1000000x32xf32, #tpu.memory_space<hbm>>
    tpu.wait_indirect_dma semaphore(%arg15 : memref<!tpu.dma_semaphore, #tpu.memory_space<semaphore_mem>>) src(%dma_wait3A_15 : memref<1000000x32xf32, #tpu.memory_space<hbm>>) dst(%arg12 : memref<512x32xf32, #tpu.memory_space<vmem>>)
    %dma_wait3A_16 = arith.constant 0 : i32
    %dma_wait3A_17 = arith.constant 0 : i32
    %dma_wait3A_18 = tpu.memref_slice %arg6[%dma_wait3A_16, %dma_wait3A_17] : memref<1000000x32xf32, #tpu.memory_space<hbm>> -> memref<1000000x32xf32, #tpu.memory_space<hbm>>
    tpu.wait_indirect_dma semaphore(%arg15 : memref<!tpu.dma_semaphore, #tpu.memory_space<semaphore_mem>>) src(%dma_wait3A_18 : memref<1000000x32xf32, #tpu.memory_space<hbm>>) dst(%arg13 : memref<512x32xf32, #tpu.memory_space<vmem>>)
    %iota3A = tpu.iota {dimensions = array<i32: 0>} : vector<16xi32>
    %scan3A = arith.constant 0 : i32
    %scan3A_19 = arith.constant 0 : i32
    %scan3A_20 = arith.constant 32 : i32
    %scan3A_21 = arith.addi %scan3A_19, %scan3A_20 : i32
    %scan3A_22 = arith.constant 1 : i32
    scf.for %scan3A_24 = %scan3A_19 to %scan3A_21 step %scan3A_22  : i32 {
      %mul3A_25 = arith.constant 16 : i32
      %mul3A_26 = arith.muli %scan3A_24, %mul3A_25 : i32
      %broadcast_in_dim3A = vector.broadcast %mul3A_26 : i32 to vector<16xi32>
      %add3A_27 = arith.addi %broadcast_in_dim3A, %iota3A : vector<16xi32>
      %broadcast_in_dim3A_28 = arith.constant 0.000000e+00 : f32
      %broadcast_in_dim3A_29 = vector.broadcast %broadcast_in_dim3A_28 : f32 to vector<16xf32>
      %broadcast_in_dim3A_30 = arith.constant 0 : i32
      %broadcast_in_dim3A_31 = vector.broadcast %broadcast_in_dim3A_30 : i32 to vector<16xi32>
      %gather3A = tpu.vector_load_idx %arg11[%add3A_27, %broadcast_in_dim3A_31] : memref<512x32xf32, #tpu.memory_space<vmem>>[vector<16xi32>, vector<16xi32>], vector<16xf32>,
      %gather3A_32 = tpu.vector_load_idx %arg12[%add3A_27, %broadcast_in_dim3A_31] : memref<512x32xf32, #tpu.memory_space<vmem>>[vector<16xi32>, vector<16xi32>], vector<16xf32>,
      %gather3A_33 = tpu.vector_load_idx %arg13[%add3A_27, %broadcast_in_dim3A_31] : memref<512x32xf32, #tpu.memory_space<vmem>>[vector<16xi32>, vector<16xi32>], vector<16xf32>,
      %mul3A_34 = arith.mulf %gather3A, %gather3A : vector<16xf32>
      %add3A_35 = arith.addf %broadcast_in_dim3A_29, %mul3A_34 : vector<16xf32>
      %mul3A_36 = arith.mulf %gather3A_32, %gather3A_32 : vector<16xf32>
      %add3A_37 = arith.addf %broadcast_in_dim3A_29, %mul3A_36 : vector<16xf32>
      %mul3A_38 = arith.mulf %gather3A_33, %gather3A_33 : vector<16xf32>
      %add3A_39 = arith.addf %broadcast_in_dim3A_29, %mul3A_38 : vector<16xf32>
      %mul3A_40 = arith.mulf %gather3A, %gather3A_32 : vector<16xf32>
      %add3A_41 = arith.addf %broadcast_in_dim3A_29, %mul3A_40 : vector<16xf32>
      %mul3A_42 = arith.mulf %gather3A, %gather3A_33 : vector<16xf32>
      %add3A_43 = arith.addf %broadcast_in_dim3A_29, %mul3A_42 : vector<16xf32>
      %broadcast_in_dim3A_44 = arith.constant 1 : i32
      %broadcast_in_dim3A_45 = vector.broadcast %broadcast_in_dim3A_44 : i32 to vector<16xi32>
      %gather3A_46 = tpu.vector_load_idx %arg11[%add3A_27, %broadcast_in_dim3A_45] : memref<512x32xf32, #tpu.memory_space<vmem>>[vector<16xi32>, vector<16xi32>], vector<16xf32>,
      %gather3A_47 = tpu.vector_load_idx %arg12[%add3A_27, %broadcast_in_dim3A_45] : memref<512x32xf32, #tpu.memory_space<vmem>>[vector<16xi32>, vector<16xi32>], vector<16xf32>,
      %gather3A_48 = tpu.vector_load_idx %arg13[%add3A_27, %broadcast_in_dim3A_45] : memref<512x32xf32, #tpu.memory_space<vmem>>[vector<16xi32>, vector<16xi32>], vector<16xf32>,
      %mul3A_49 = arith.mulf %gather3A_46, %gather3A_46 : vector<16xf32>
      %add3A_50 = arith.addf %add3A_35, %mul3A_49 : vector<16xf32>
      %mul3A_51 = arith.mulf %gather3A_47, %gather3A_47 : vector<16xf32>
      %add3A_52 = arith.addf %add3A_37, %mul3A_51 : vector<16xf32>
      %mul3A_53 = arith.mulf %gather3A_48, %gather3A_48 : vector<16xf32>
      %add3A_54 = arith.addf %add3A_39, %mul3A_53 : vector<16xf32>
      %mul3A_55 = arith.mulf %gather3A_46, %gather3A_47 : vector<16xf32>
      %add3A_56 = arith.addf %add3A_41, %mul3A_55 : vector<16xf32>
      %mul3A_57 = arith.mulf %gather3A_46, %gather3A_48 : vector<16xf32>
      %add3A_58 = arith.addf %add3A_43, %mul3A_57 : vector<16xf32>
      %broadcast_in_dim3A_59 = arith.constant 2 : i32
      %broadcast_in_dim3A_60 = vector.broadcast %broadcast_in_dim3A_59 : i32 to vector<16xi32>
      %gather3A_61 = tpu.vector_load_idx %arg11[%add3A_27, %broadcast_in_dim3A_60] : memref<512x32xf32, #tpu.memory_space<vmem>>[vector<16xi32>, vector<16xi32>], vector<16xf32>,
      %gather3A_62 = tpu.vector_load_idx %arg12[%add3A_27, %broadcast_in_dim3A_60] : memref<512x32xf32, #tpu.memory_space<vmem>>[vector<16xi32>, vector<16xi32>], vector<16xf32>,
      %gather3A_63 = tpu.vector_load_idx %arg13[%add3A_27, %broadcast_in_dim3A_60] : memref<512x32xf32, #tpu.memory_space<vmem>>[vector<16xi32>, vector<16xi32>], vector<16xf32>,
      %mul3A_64 = arith.mulf %gather3A_61, %gather3A_61 : vector<16xf32>
      %add3A_65 = arith.addf %add3A_50, %mul3A_64 : vector<16xf32>
      %mul3A_66 = arith.mulf %gather3A_62, %gather3A_62 : vector<16xf32>
      %add3A_67 = arith.addf %add3A_52, %mul3A_66 : vector<16xf32>
      %mul3A_68 = arith.mulf %gather3A_63, %gather3A_63 : vector<16xf32>
      %add3A_69 = arith.addf %add3A_54, %mul3A_68 : vector<16xf32>
      %mul3A_70 = arith.mulf %gather3A_61, %gather3A_62 : vector<16xf32>
      %add3A_71 = arith.addf %add3A_56, %mul3A_70 : vector<16xf32>
      %mul3A_72 = arith.mulf %gather3A_61, %gather3A_63 : vector<16xf32>
      %add3A_73 = arith.addf %add3A_58, %mul3A_72 : vector<16xf32>
      %broadcast_in_dim3A_74 = arith.constant 3 : i32
      %broadcast_in_dim3A_75 = vector.broadcast %broadcast_in_dim3A_74 : i32 to vector<16xi32>
      %gather3A_76 = tpu.vector_load_idx %arg11[%add3A_27, %broadcast_in_dim3A_75] : memref<512x32xf32, #tpu.memory_space<vmem>>[vector<16xi32>, vector<16xi32>], vector<16xf32>,
      %gather3A_77 = tpu.vector_load_idx %arg12[%add3A_27, %broadcast_in_dim3A_75] : memref<512x32xf32, #tpu.memory_space<vmem>>[vector<16xi32>, vector<16xi32>], vector<16xf32>,
      %gather3A_78 = tpu.vector_load_idx %arg13[%add3A_27, %broadcast_in_dim3A_75] : memref<512x32xf32, #tpu.memory_space<vmem>>[vector<16xi32>, vector<16xi32>], vector<16xf32>,
      %mul3A_79 = arith.mulf %gather3A_76, %gather3A_76 : vector<16xf32>
      %add3A_80 = arith.addf %add3A_65, %mul3A_79 : vector<16xf32>
      %mul3A_81 = arith.mulf %gather3A_77, %gather3A_77 : vector<16xf32>
      %add3A_82 = arith.addf %add3A_67, %mul3A_81 : vector<16xf32>
      %mul3A_83 = arith.mulf %gather3A_78, %gather3A_78 : vector<16xf32>
      %add3A_84 = arith.addf %add3A_69, %mul3A_83 : vector<16xf32>
      %mul3A_85 = arith.mulf %gather3A_76, %gather3A_77 : vector<16xf32>
      %add3A_86 = arith.addf %add3A_71, %mul3A_85 : vector<16xf32>
      %mul3A_87 = arith.mulf %gather3A_76, %gather3A_78 : vector<16xf32>
      %add3A_88 = arith.addf %add3A_73, %mul3A_87 : vector<16xf32>
      %broadcast_in_dim3A_89 = arith.constant 4 : i32
      %broadcast_in_dim3A_90 = vector.broadcast %broadcast_in_dim3A_89 : i32 to vector<16xi32>
      %gather3A_91 = tpu.vector_load_idx %arg11[%add3A_27, %broadcast_in_dim3A_90] : memref<512x32xf32, #tpu.memory_space<vmem>>[vector<16xi32>, vector<16xi32>], vector<16xf32>,
      %gather3A_92 = tpu.vector_load_idx %arg12[%add3A_27, %broadcast_in_dim3A_90] : memref<512x32xf32, #tpu.memory_space<vmem>>[vector<16xi32>, vector<16xi32>], vector<16xf32>,
      %gather3A_93 = tpu.vector_load_idx %arg13[%add3A_27, %broadcast_in_dim3A_90] : memref<512x32xf32, #tpu.memory_space<vmem>>[vector<16xi32>, vector<16xi32>], vector<16xf32>,
      %mul3A_94 = arith.mulf %gather3A_91, %gather3A_91 : vector<16xf32>
      %add3A_95 = arith.addf %add3A_80, %mul3A_94 : vector<16xf32>
      %mul3A_96 = arith.mulf %gather3A_92, %gather3A_92 : vector<16xf32>
      %add3A_97 = arith.addf %add3A_82, %mul3A_96 : vector<16xf32>
      %mul3A_98 = arith.mulf %gather3A_93, %gather3A_93 : vector<16xf32>
      %add3A_99 = arith.addf %add3A_84, %mul3A_98 : vector<16xf32>
      %mul3A_100 = arith.mulf %gather3A_91, %gather3A_92 : vector<16xf32>
      %add3A_101 = arith.addf %add3A_86, %mul3A_100 : vector<16xf32>
      %mul3A_102 = arith.mulf %gather3A_91, %gather3A_93 : vector<16xf32>
      %add3A_103 = arith.addf %add3A_88, %mul3A_102 : vector<16xf32>
      %broadcast_in_dim3A_104 = arith.constant 5 : i32
      %broadcast_in_dim3A_105 = vector.broadcast %broadcast_in_dim3A_104 : i32 to vector<16xi32>
      %gather3A_106 = tpu.vector_load_idx %arg11[%add3A_27, %broadcast_in_dim3A_105] : memref<512x32xf32, #tpu.memory_space<vmem>>[vector<16xi32>, vector<16xi32>], vector<16xf32>,
      %gather3A_107 = tpu.vector_load_idx %arg12[%add3A_27, %broadcast_in_dim3A_105] : memref<512x32xf32, #tpu.memory_space<vmem>>[vector<16xi32>, vector<16xi32>], vector<16xf32>,
      %gather3A_108 = tpu.vector_load_idx %arg13[%add3A_27, %broadcast_in_dim3A_105] : memref<512x32xf32, #tpu.memory_space<vmem>>[vector<16xi32>, vector<16xi32>], vector<16xf32>,
      %mul3A_109 = arith.mulf %gather3A_106, %gather3A_106 : vector<16xf32>
      %add3A_110 = arith.addf %add3A_95, %mul3A_109 : vector<16xf32>
      %mul3A_111 = arith.mulf %gather3A_107, %gather3A_107 : vector<16xf32>
      %add3A_112 = arith.addf %add3A_97, %mul3A_111 : vector<16xf32>
      %mul3A_113 = arith.mulf %gather3A_108, %gather3A_108 : vector<16xf32>
      %add3A_114 = arith.addf %add3A_99, %mul3A_113 : vector<16xf32>
      %mul3A_115 = arith.mulf %gather3A_106, %gather3A_107 : vector<16xf32>
      %add3A_116 = arith.addf %add3A_101, %mul3A_115 : vector<16xf32>
      %mul3A_117 = arith.mulf %gather3A_106, %gather3A_108 : vector<16xf32>
      %add3A_118 = arith.addf %add3A_103, %mul3A_117 : vector<16xf32>
      %broadcast_in_dim3A_119 = arith.constant 6 : i32
      %broadcast_in_dim3A_120 = vector.broadcast %broadcast_in_dim3A_119 : i32 to vector<16xi32>
      %gather3A_121 = tpu.vector_load_idx %arg11[%add3A_27, %broadcast_in_dim3A_120] : memref<512x32xf32, #tpu.memory_space<vmem>>[vector<16xi32>, vector<16xi32>], vector<16xf32>,
      %gather3A_122 = tpu.vector_load_idx %arg12[%add3A_27, %broadcast_in_dim3A_120] : memref<512x32xf32, #tpu.memory_space<vmem>>[vector<16xi32>, vector<16xi32>], vector<16xf32>,
      %gather3A_123 = tpu.vector_load_idx %arg13[%add3A_27, %broadcast_in_dim3A_120] : memref<512x32xf32, #tpu.memory_space<vmem>>[vector<16xi32>, vector<16xi32>], vector<16xf32>,
      %mul3A_124 = arith.mulf %gather3A_121, %gather3A_121 : vector<16xf32>
      %add3A_125 = arith.addf %add3A_110, %mul3A_124 : vector<16xf32>
      %mul3A_126 = arith.mulf %gather3A_122, %gather3A_122 : vector<16xf32>
      %add3A_127 = arith.addf %add3A_112, %mul3A_126 : vector<16xf32>
      %mul3A_128 = arith.mulf %gather3A_123, %gather3A_123 : vector<16xf32>
      %add3A_129 = arith.addf %add3A_114, %mul3A_128 : vector<16xf32>
      %mul3A_130 = arith.mulf %gather3A_121, %gather3A_122 : vector<16xf32>
      %add3A_131 = arith.addf %add3A_116, %mul3A_130 : vector<16xf32>
      %mul3A_132 = arith.mulf %gather3A_121, %gather3A_123 : vector<16xf32>
      %add3A_133 = arith.addf %add3A_118, %mul3A_132 : vector<16xf32>
      %broadcast_in_dim3A_134 = arith.constant 7 : i32
      %broadcast_in_dim3A_135 = vector.broadcast %broadcast_in_dim3A_134 : i32 to vector<16xi32>
      %gather3A_136 = tpu.vector_load_idx %arg11[%add3A_27, %broadcast_in_dim3A_135] : memref<512x32xf32, #tpu.memory_space<vmem>>[vector<16xi32>, vector<16xi32>], vector<16xf32>,
      %gather3A_137 = tpu.vector_load_idx %arg12[%add3A_27, %broadcast_in_dim3A_135] : memref<512x32xf32, #tpu.memory_space<vmem>>[vector<16xi32>, vector<16xi32>], vector<16xf32>,
      %gather3A_138 = tpu.vector_load_idx %arg13[%add3A_27, %broadcast_in_dim3A_135] : memref<512x32xf32, #tpu.memory_space<vmem>>[vector<16xi32>, vector<16xi32>], vector<16xf32>,
      %mul3A_139 = arith.mulf %gather3A_136, %gather3A_136 : vector<16xf32>
      %add3A_140 = arith.addf %add3A_125, %mul3A_139 : vector<16xf32>
      %mul3A_141 = arith.mulf %gather3A_137, %gather3A_137 : vector<16xf32>
      %add3A_142 = arith.addf %add3A_127, %mul3A_141 : vector<16xf32>
      %mul3A_143 = arith.mulf %gather3A_138, %gather3A_138 : vector<16xf32>
      %add3A_144 = arith.addf %add3A_129, %mul3A_143 : vector<16xf32>
      %mul3A_145 = arith.mulf %gather3A_136, %gather3A_137 : vector<16xf32>
      %add3A_146 = arith.addf %add3A_131, %mul3A_145 : vector<16xf32>
      %mul3A_147 = arith.mulf %gather3A_136, %gather3A_138 : vector<16xf32>
      %add3A_148 = arith.addf %add3A_133, %mul3A_147 : vector<16xf32>
      %broadcast_in_dim3A_149 = arith.constant 8 : i32
      %broadcast_in_dim3A_150 = vector.broadcast %broadcast_in_dim3A_149 : i32 to vector<16xi32>
      %gather3A_151 = tpu.vector_load_idx %arg11[%add3A_27, %broadcast_in_dim3A_150] : memref<512x32xf32, #tpu.memory_space<vmem>>[vector<16xi32>, vector<16xi32>], vector<16xf32>,
      %gather3A_152 = tpu.vector_load_idx %arg12[%add3A_27, %broadcast_in_dim3A_150] : memref<512x32xf32, #tpu.memory_space<vmem>>[vector<16xi32>, vector<16xi32>], vector<16xf32>,
      %gather3A_153 = tpu.vector_load_idx %arg13[%add3A_27, %broadcast_in_dim3A_150] : memref<512x32xf32, #tpu.memory_space<vmem>>[vector<16xi32>, vector<16xi32>], vector<16xf32>,
      %mul3A_154 = arith.mulf %gather3A_151, %gather3A_151 : vector<16xf32>
      %add3A_155 = arith.addf %add3A_140, %mul3A_154 : vector<16xf32>
      %mul3A_156 = arith.mulf %gather3A_152, %gather3A_152 : vector<16xf32>
      %add3A_157 = arith.addf %add3A_142, %mul3A_156 : vector<16xf32>
      %mul3A_158 = arith.mulf %gather3A_153, %gather3A_153 : vector<16xf32>
      %add3A_159 = arith.addf %add3A_144, %mul3A_158 : vector<16xf32>
      %mul3A_160 = arith.mulf %gather3A_151, %gather3A_152 : vector<16xf32>
      %add3A_161 = arith.addf %add3A_146, %mul3A_160 : vector<16xf32>
      %mul3A_162 = arith.mulf %gather3A_151, %gather3A_153 : vector<16xf32>
      %add3A_163 = arith.addf %add3A_148, %mul3A_162 : vector<16xf32>
      %broadcast_in_dim3A_164 = arith.constant 9 : i32
      %broadcast_in_dim3A_165 = vector.broadcast %broadcast_in_dim3A_164 : i32 to vector<16xi32>
      %gather3A_166 = tpu.vector_load_idx %arg11[%add3A_27, %broadcast_in_dim3A_165] : memref<512x32xf32, #tpu.memory_space<vmem>>[vector<16xi32>, vector<16xi32>], vector<16xf32>,
      %gather3A_167 = tpu.vector_load_idx %arg12[%add3A_27, %broadcast_in_dim3A_165] : memref<512x32xf32, #tpu.memory_space<vmem>>[vector<16xi32>, vector<16xi32>], vector<16xf32>,
      %gather3A_168 = tpu.vector_load_idx %arg13[%add3A_27, %broadcast_in_dim3A_165] : memref<512x32xf32, #tpu.memory_space<vmem>>[vector<16xi32>, vector<16xi32>], vector<16xf32>,
      %mul3A_169 = arith.mulf %gather3A_166, %gather3A_166 : vector<16xf32>
      %add3A_170 = arith.addf %add3A_155, %mul3A_169 : vector<16xf32>
      %mul3A_171 = arith.mulf %gather3A_167, %gather3A_167 : vector<16xf32>
      %add3A_172 = arith.addf %add3A_157, %mul3A_171 : vector<16xf32>
      %mul3A_173 = arith.mulf %gather3A_168, %gather3A_168 : vector<16xf32>
      %add3A_174 = arith.addf %add3A_159, %mul3A_173 : vector<16xf32>
      %mul3A_175 = arith.mulf %gather3A_166, %gather3A_167 : vector<16xf32>
      %add3A_176 = arith.addf %add3A_161, %mul3A_175 : vector<16xf32>
      %mul3A_177 = arith.mulf %gather3A_166, %gather3A_168 : vector<16xf32>
      %add3A_178 = arith.addf %add3A_163, %mul3A_177 : vector<16xf32>
      %broadcast_in_dim3A_179 = arith.constant 10 : i32
      %broadcast_in_dim3A_180 = vector.broadcast %broadcast_in_dim3A_179 : i32 to vector<16xi32>
      %gather3A_181 = tpu.vector_load_idx %arg11[%add3A_27, %broadcast_in_dim3A_180] : memref<512x32xf32, #tpu.memory_space<vmem>>[vector<16xi32>, vector<16xi32>], vector<16xf32>,
      %gather3A_182 = tpu.vector_load_idx %arg12[%add3A_27, %broadcast_in_dim3A_180] : memref<512x32xf32, #tpu.memory_space<vmem>>[vector<16xi32>, vector<16xi32>], vector<16xf32>,
      %gather3A_183 = tpu.vector_load_idx %arg13[%add3A_27, %broadcast_in_dim3A_180] : memref<512x32xf32, #tpu.memory_space<vmem>>[vector<16xi32>, vector<16xi32>], vector<16xf32>,
      %mul3A_184 = arith.mulf %gather3A_181, %gather3A_181 : vector<16xf32>
      %add3A_185 = arith.addf %add3A_170, %mul3A_184 : vector<16xf32>
      %mul3A_186 = arith.mulf %gather3A_182, %gather3A_182 : vector<16xf32>
      %add3A_187 = arith.addf %add3A_172, %mul3A_186 : vector<16xf32>
      %mul3A_188 = arith.mulf %gather3A_183, %gather3A_183 : vector<16xf32>
      %add3A_189 = arith.addf %add3A_174, %mul3A_188 : vector<16xf32>
      %mul3A_190 = arith.mulf %gather3A_181, %gather3A_182 : vector<16xf32>
      %add3A_191 = arith.addf %add3A_176, %mul3A_190 : vector<16xf32>
      %mul3A_192 = arith.mulf %gather3A_181, %gather3A_183 : vector<16xf32>
      %add3A_193 = arith.addf %add3A_178, %mul3A_192 : vector<16xf32>
      %broadcast_in_dim3A_194 = arith.constant 11 : i32
      %broadcast_in_dim3A_195 = vector.broadcast %broadcast_in_dim3A_194 : i32 to vector<16xi32>
      %gather3A_196 = tpu.vector_load_idx %arg11[%add3A_27, %broadcast_in_dim3A_195] : memref<512x32xf32, #tpu.memory_space<vmem>>[vector<16xi32>, vector<16xi32>], vector<16xf32>,
      %gather3A_197 = tpu.vector_load_idx %arg12[%add3A_27, %broadcast_in_dim3A_195] : memref<512x32xf32, #tpu.memory_space<vmem>>[vector<16xi32>, vector<16xi32>], vector<16xf32>,
      %gather3A_198 = tpu.vector_load_idx %arg13[%add3A_27, %broadcast_in_dim3A_195] : memref<512x32xf32, #tpu.memory_space<vmem>>[vector<16xi32>, vector<16xi32>], vector<16xf32>,
      %mul3A_199 = arith.mulf %gather3A_196, %gather3A_196 : vector<16xf32>
      %add3A_200 = arith.addf %add3A_185, %mul3A_199 : vector<16xf32>
      %mul3A_201 = arith.mulf %gather3A_197, %gather3A_197 : vector<16xf32>
      %add3A_202 = arith.addf %add3A_187, %mul3A_201 : vector<16xf32>
      %mul3A_203 = arith.mulf %gather3A_198, %gather3A_198 : vector<16xf32>
      %add3A_204 = arith.addf %add3A_189, %mul3A_203 : vector<16xf32>
      %mul3A_205 = arith.mulf %gather3A_196, %gather3A_197 : vector<16xf32>
      %add3A_206 = arith.addf %add3A_191, %mul3A_205 : vector<16xf32>
      %mul3A_207 = arith.mulf %gather3A_196, %gather3A_198 : vector<16xf32>
      %add3A_208 = arith.addf %add3A_193, %mul3A_207 : vector<16xf32>
      %broadcast_in_dim3A_209 = arith.constant 12 : i32
      %broadcast_in_dim3A_210 = vector.broadcast %broadcast_in_dim3A_209 : i32 to vector<16xi32>
      %gather3A_211 = tpu.vector_load_idx %arg11[%add3A_27, %broadcast_in_dim3A_210] : memref<512x32xf32, #tpu.memory_space<vmem>>[vector<16xi32>, vector<16xi32>], vector<16xf32>,
      %gather3A_212 = tpu.vector_load_idx %arg12[%add3A_27, %broadcast_in_dim3A_210] : memref<512x32xf32, #tpu.memory_space<vmem>>[vector<16xi32>, vector<16xi32>], vector<16xf32>,
      %gather3A_213 = tpu.vector_load_idx %arg13[%add3A_27, %broadcast_in_dim3A_210] : memref<512x32xf32, #tpu.memory_space<vmem>>[vector<16xi32>, vector<16xi32>], vector<16xf32>,
      %mul3A_214 = arith.mulf %gather3A_211, %gather3A_211 : vector<16xf32>
      %add3A_215 = arith.addf %add3A_200, %mul3A_214 : vector<16xf32>
      %mul3A_216 = arith.mulf %gather3A_212, %gather3A_212 : vector<16xf32>
      %add3A_217 = arith.addf %add3A_202, %mul3A_216 : vector<16xf32>
      %mul3A_218 = arith.mulf %gather3A_213, %gather3A_213 : vector<16xf32>
      %add3A_219 = arith.addf %add3A_204, %mul3A_218 : vector<16xf32>
      %mul3A_220 = arith.mulf %gather3A_211, %gather3A_212 : vector<16xf32>
      %add3A_221 = arith.addf %add3A_206, %mul3A_220 : vector<16xf32>
      %mul3A_222 = arith.mulf %gather3A_211, %gather3A_213 : vector<16xf32>
      %add3A_223 = arith.addf %add3A_208, %mul3A_222 : vector<16xf32>
      %broadcast_in_dim3A_224 = arith.constant 13 : i32
      %broadcast_in_dim3A_225 = vector.broadcast %broadcast_in_dim3A_224 : i32 to vector<16xi32>
      %gather3A_226 = tpu.vector_load_idx %arg11[%add3A_27, %broadcast_in_dim3A_225] : memref<512x32xf32, #tpu.memory_space<vmem>>[vector<16xi32>, vector<16xi32>], vector<16xf32>,
      %gather3A_227 = tpu.vector_load_idx %arg12[%add3A_27, %broadcast_in_dim3A_225] : memref<512x32xf32, #tpu.memory_space<vmem>>[vector<16xi32>, vector<16xi32>], vector<16xf32>,
      %gather3A_228 = tpu.vector_load_idx %arg13[%add3A_27, %broadcast_in_dim3A_225] : memref<512x32xf32, #tpu.memory_space<vmem>>[vector<16xi32>, vector<16xi32>], vector<16xf32>,
      %mul3A_229 = arith.mulf %gather3A_226, %gather3A_226 : vector<16xf32>
      %add3A_230 = arith.addf %add3A_215, %mul3A_229 : vector<16xf32>
      %mul3A_231 = arith.mulf %gather3A_227, %gather3A_227 : vector<16xf32>
      %add3A_232 = arith.addf %add3A_217, %mul3A_231 : vector<16xf32>
      %mul3A_233 = arith.mulf %gather3A_228, %gather3A_228 : vector<16xf32>
      %add3A_234 = arith.addf %add3A_219, %mul3A_233 : vector<16xf32>
      %mul3A_235 = arith.mulf %gather3A_226, %gather3A_227 : vector<16xf32>
      %add3A_236 = arith.addf %add3A_221, %mul3A_235 : vector<16xf32>
      %mul3A_237 = arith.mulf %gather3A_226, %gather3A_228 : vector<16xf32>
      %add3A_238 = arith.addf %add3A_223, %mul3A_237 : vector<16xf32>
      %broadcast_in_dim3A_239 = arith.constant 14 : i32
      %broadcast_in_dim3A_240 = vector.broadcast %broadcast_in_dim3A_239 : i32 to vector<16xi32>
      %gather3A_241 = tpu.vector_load_idx %arg11[%add3A_27, %broadcast_in_dim3A_240] : memref<512x32xf32, #tpu.memory_space<vmem>>[vector<16xi32>, vector<16xi32>], vector<16xf32>,
      %gather3A_242 = tpu.vector_load_idx %arg12[%add3A_27, %broadcast_in_dim3A_240] : memref<512x32xf32, #tpu.memory_space<vmem>>[vector<16xi32>, vector<16xi32>], vector<16xf32>,
      %gather3A_243 = tpu.vector_load_idx %arg13[%add3A_27, %broadcast_in_dim3A_240] : memref<512x32xf32, #tpu.memory_space<vmem>>[vector<16xi32>, vector<16xi32>], vector<16xf32>,
      %mul3A_244 = arith.mulf %gather3A_241, %gather3A_241 : vector<16xf32>
      %add3A_245 = arith.addf %add3A_230, %mul3A_244 : vector<16xf32>
      %mul3A_246 = arith.mulf %gather3A_242, %gather3A_242 : vector<16xf32>
      %add3A_247 = arith.addf %add3A_232, %mul3A_246 : vector<16xf32>
      %mul3A_248 = arith.mulf %gather3A_243, %gather3A_243 : vector<16xf32>
      %add3A_249 = arith.addf %add3A_234, %mul3A_248 : vector<16xf32>
      %mul3A_250 = arith.mulf %gather3A_241, %gather3A_242 : vector<16xf32>
      %add3A_251 = arith.addf %add3A_236, %mul3A_250 : vector<16xf32>
      %mul3A_252 = arith.mulf %gather3A_241, %gather3A_243 : vector<16xf32>
      %add3A_253 = arith.addf %add3A_238, %mul3A_252 : vector<16xf32>
      %broadcast_in_dim3A_254 = arith.constant 15 : i32
      %broadcast_in_dim3A_255 = vector.broadcast %broadcast_in_dim3A_254 : i32 to vector<16xi32>
      %gather3A_256 = tpu.vector_load_idx %arg11[%add3A_27, %broadcast_in_dim3A_255] : memref<512x32xf32, #tpu.memory_space<vmem>>[vector<16xi32>, vector<16xi32>], vector<16xf32>,
      %gather3A_257 = tpu.vector_load_idx %arg12[%add3A_27, %broadcast_in_dim3A_255] : memref<512x32xf32, #tpu.memory_space<vmem>>[vector<16xi32>, vector<16xi32>], vector<16xf32>,
      %gather3A_258 = tpu.vector_load_idx %arg13[%add3A_27, %broadcast_in_dim3A_255] : memref<512x32xf32, #tpu.memory_space<vmem>>[vector<16xi32>, vector<16xi32>], vector<16xf32>,
      %mul3A_259 = arith.mulf %gather3A_256, %gather3A_256 : vector<16xf32>
      %add3A_260 = arith.addf %add3A_245, %mul3A_259 : vector<16xf32>
      %mul3A_261 = arith.mulf %gather3A_257, %gather3A_257 : vector<16xf32>
      %add3A_262 = arith.addf %add3A_247, %mul3A_261 : vector<16xf32>
      %mul3A_263 = arith.mulf %gather3A_258, %gather3A_258 : vector<16xf32>
      %add3A_264 = arith.addf %add3A_249, %mul3A_263 : vector<16xf32>
      %mul3A_265 = arith.mulf %gather3A_256, %gather3A_257 : vector<16xf32>
      %add3A_266 = arith.addf %add3A_251, %mul3A_265 : vector<16xf32>
      %mul3A_267 = arith.mulf %gather3A_256, %gather3A_258 : vector<16xf32>
      %add3A_268 = arith.addf %add3A_253, %mul3A_267 : vector<16xf32>
      %broadcast_in_dim3A_269 = arith.constant 16 : i32
      %broadcast_in_dim3A_270 = vector.broadcast %broadcast_in_dim3A_269 : i32 to vector<16xi32>
      %gather3A_271 = tpu.vector_load_idx %arg11[%add3A_27, %broadcast_in_dim3A_270] : memref<512x32xf32, #tpu.memory_space<vmem>>[vector<16xi32>, vector<16xi32>], vector<16xf32>,
      %gather3A_272 = tpu.vector_load_idx %arg12[%add3A_27, %broadcast_in_dim3A_270] : memref<512x32xf32, #tpu.memory_space<vmem>>[vector<16xi32>, vector<16xi32>], vector<16xf32>,
      %gather3A_273 = tpu.vector_load_idx %arg13[%add3A_27, %broadcast_in_dim3A_270] : memref<512x32xf32, #tpu.memory_space<vmem>>[vector<16xi32>, vector<16xi32>], vector<16xf32>,
      %mul3A_274 = arith.mulf %gather3A_271, %gather3A_271 : vector<16xf32>
      %add3A_275 = arith.addf %add3A_260, %mul3A_274 : vector<16xf32>
      %mul3A_276 = arith.mulf %gather3A_272, %gather3A_272 : vector<16xf32>
      %add3A_277 = arith.addf %add3A_262, %mul3A_276 : vector<16xf32>
      %mul3A_278 = arith.mulf %gather3A_273, %gather3A_273 : vector<16xf32>
      %add3A_279 = arith.addf %add3A_264, %mul3A_278 : vector<16xf32>
      %mul3A_280 = arith.mulf %gather3A_271, %gather3A_272 : vector<16xf32>
      %add3A_281 = arith.addf %add3A_266, %mul3A_280 : vector<16xf32>
      %mul3A_282 = arith.mulf %gather3A_271, %gather3A_273 : vector<16xf32>
      %add3A_283 = arith.addf %add3A_268, %mul3A_282 : vector<16xf32>
      %broadcast_in_dim3A_284 = arith.constant 17 : i32
      %broadcast_in_dim3A_285 = vector.broadcast %broadcast_in_dim3A_284 : i32 to vector<16xi32>
      %gather3A_286 = tpu.vector_load_idx %arg11[%add3A_27, %broadcast_in_dim3A_285] : memref<512x32xf32, #tpu.memory_space<vmem>>[vector<16xi32>, vector<16xi32>], vector<16xf32>,
      %gather3A_287 = tpu.vector_load_idx %arg12[%add3A_27, %broadcast_in_dim3A_285] : memref<512x32xf32, #tpu.memory_space<vmem>>[vector<16xi32>, vector<16xi32>], vector<16xf32>,
      %gather3A_288 = tpu.vector_load_idx %arg13[%add3A_27, %broadcast_in_dim3A_285] : memref<512x32xf32, #tpu.memory_space<vmem>>[vector<16xi32>, vector<16xi32>], vector<16xf32>,
      %mul3A_289 = arith.mulf %gather3A_286, %gather3A_286 : vector<16xf32>
      %add3A_290 = arith.addf %add3A_275, %mul3A_289 : vector<16xf32>
      %mul3A_291 = arith.mulf %gather3A_287, %gather3A_287 : vector<16xf32>
      %add3A_292 = arith.addf %add3A_277, %mul3A_291 : vector<16xf32>
      %mul3A_293 = arith.mulf %gather3A_288, %gather3A_288 : vector<16xf32>
      %add3A_294 = arith.addf %add3A_279, %mul3A_293 : vector<16xf32>
      %mul3A_295 = arith.mulf %gather3A_286, %gather3A_287 : vector<16xf32>
      %add3A_296 = arith.addf %add3A_281, %mul3A_295 : vector<16xf32>
      %mul3A_297 = arith.mulf %gather3A_286, %gather3A_288 : vector<16xf32>
      %add3A_298 = arith.addf %add3A_283, %mul3A_297 : vector<16xf32>
      %broadcast_in_dim3A_299 = arith.constant 18 : i32
      %broadcast_in_dim3A_300 = vector.broadcast %broadcast_in_dim3A_299 : i32 to vector<16xi32>
      %gather3A_301 = tpu.vector_load_idx %arg11[%add3A_27, %broadcast_in_dim3A_300] : memref<512x32xf32, #tpu.memory_space<vmem>>[vector<16xi32>, vector<16xi32>], vector<16xf32>,
      %gather3A_302 = tpu.vector_load_idx %arg12[%add3A_27, %broadcast_in_dim3A_300] : memref<512x32xf32, #tpu.memory_space<vmem>>[vector<16xi32>, vector<16xi32>], vector<16xf32>,
      %gather3A_303 = tpu.vector_load_idx %arg13[%add3A_27, %broadcast_in_dim3A_300] : memref<512x32xf32, #tpu.memory_space<vmem>>[vector<16xi32>, vector<16xi32>], vector<16xf32>,
      %mul3A_304 = arith.mulf %gather3A_301, %gather3A_301 : vector<16xf32>
      %add3A_305 = arith.addf %add3A_290, %mul3A_304 : vector<16xf32>
      %mul3A_306 = arith.mulf %gather3A_302, %gather3A_302 : vector<16xf32>
      %add3A_307 = arith.addf %add3A_292, %mul3A_306 : vector<16xf32>
      %mul3A_308 = arith.mulf %gather3A_303, %gather3A_303 : vector<16xf32>
      %add3A_309 = arith.addf %add3A_294, %mul3A_308 : vector<16xf32>
      %mul3A_310 = arith.mulf %gather3A_301, %gather3A_302 : vector<16xf32>
      %add3A_311 = arith.addf %add3A_296, %mul3A_310 : vector<16xf32>
      %mul3A_312 = arith.mulf %gather3A_301, %gather3A_303 : vector<16xf32>
      %add3A_313 = arith.addf %add3A_298, %mul3A_312 : vector<16xf32>
      %broadcast_in_dim3A_314 = arith.constant 19 : i32
      %broadcast_in_dim3A_315 = vector.broadcast %broadcast_in_dim3A_314 : i32 to vector<16xi32>
      %gather3A_316 = tpu.vector_load_idx %arg11[%add3A_27, %broadcast_in_dim3A_315] : memref<512x32xf32, #tpu.memory_space<vmem>>[vector<16xi32>, vector<16xi32>], vector<16xf32>,
      %gather3A_317 = tpu.vector_load_idx %arg12[%add3A_27, %broadcast_in_dim3A_315] : memref<512x32xf32, #tpu.memory_space<vmem>>[vector<16xi32>, vector<16xi32>], vector<16xf32>,
      %gather3A_318 = tpu.vector_load_idx %arg13[%add3A_27, %broadcast_in_dim3A_315] : memref<512x32xf32, #tpu.memory_space<vmem>>[vector<16xi32>, vector<16xi32>], vector<16xf32>,
      %mul3A_319 = arith.mulf %gather3A_316, %gather3A_316 : vector<16xf32>
      %add3A_320 = arith.addf %add3A_305, %mul3A_319 : vector<16xf32>
      %mul3A_321 = arith.mulf %gather3A_317, %gather3A_317 : vector<16xf32>
      %add3A_322 = arith.addf %add3A_307, %mul3A_321 : vector<16xf32>
      %mul3A_323 = arith.mulf %gather3A_318, %gather3A_318 : vector<16xf32>
      %add3A_324 = arith.addf %add3A_309, %mul3A_323 : vector<16xf32>
      %mul3A_325 = arith.mulf %gather3A_316, %gather3A_317 : vector<16xf32>
      %add3A_326 = arith.addf %add3A_311, %mul3A_325 : vector<16xf32>
      %mul3A_327 = arith.mulf %gather3A_316, %gather3A_318 : vector<16xf32>
      %add3A_328 = arith.addf %add3A_313, %mul3A_327 : vector<16xf32>
      %broadcast_in_dim3A_329 = arith.constant 20 : i32
      %broadcast_in_dim3A_330 = vector.broadcast %broadcast_in_dim3A_329 : i32 to vector<16xi32>
      %gather3A_331 = tpu.vector_load_idx %arg11[%add3A_27, %broadcast_in_dim3A_330] : memref<512x32xf32, #tpu.memory_space<vmem>>[vector<16xi32>, vector<16xi32>], vector<16xf32>,
      %gather3A_332 = tpu.vector_load_idx %arg12[%add3A_27, %broadcast_in_dim3A_330] : memref<512x32xf32, #tpu.memory_space<vmem>>[vector<16xi32>, vector<16xi32>], vector<16xf32>,
      %gather3A_333 = tpu.vector_load_idx %arg13[%add3A_27, %broadcast_in_dim3A_330] : memref<512x32xf32, #tpu.memory_space<vmem>>[vector<16xi32>, vector<16xi32>], vector<16xf32>,
      %mul3A_334 = arith.mulf %gather3A_331, %gather3A_331 : vector<16xf32>
      %add3A_335 = arith.addf %add3A_320, %mul3A_334 : vector<16xf32>
      %mul3A_336 = arith.mulf %gather3A_332, %gather3A_332 : vector<16xf32>
      %add3A_337 = arith.addf %add3A_322, %mul3A_336 : vector<16xf32>
      %mul3A_338 = arith.mulf %gather3A_333, %gather3A_333 : vector<16xf32>
      %add3A_339 = arith.addf %add3A_324, %mul3A_338 : vector<16xf32>
      %mul3A_340 = arith.mulf %gather3A_331, %gather3A_332 : vector<16xf32>
      %add3A_341 = arith.addf %add3A_326, %mul3A_340 : vector<16xf32>
      %mul3A_342 = arith.mulf %gather3A_331, %gather3A_333 : vector<16xf32>
      %add3A_343 = arith.addf %add3A_328, %mul3A_342 : vector<16xf32>
      %broadcast_in_dim3A_344 = arith.constant 21 : i32
      %broadcast_in_dim3A_345 = vector.broadcast %broadcast_in_dim3A_344 : i32 to vector<16xi32>
      %gather3A_346 = tpu.vector_load_idx %arg11[%add3A_27, %broadcast_in_dim3A_345] : memref<512x32xf32, #tpu.memory_space<vmem>>[vector<16xi32>, vector<16xi32>], vector<16xf32>,
      %gather3A_347 = tpu.vector_load_idx %arg12[%add3A_27, %broadcast_in_dim3A_345] : memref<512x32xf32, #tpu.memory_space<vmem>>[vector<16xi32>, vector<16xi32>], vector<16xf32>,
      %gather3A_348 = tpu.vector_load_idx %arg13[%add3A_27, %broadcast_in_dim3A_345] : memref<512x32xf32, #tpu.memory_space<vmem>>[vector<16xi32>, vector<16xi32>], vector<16xf32>,
      %mul3A_349 = arith.mulf %gather3A_346, %gather3A_346 : vector<16xf32>
      %add3A_350 = arith.addf %add3A_335, %mul3A_349 : vector<16xf32>
      %mul3A_351 = arith.mulf %gather3A_347, %gather3A_347 : vector<16xf32>
      %add3A_352 = arith.addf %add3A_337, %mul3A_351 : vector<16xf32>
      %mul3A_353 = arith.mulf %gather3A_348, %gather3A_348 : vector<16xf32>
      %add3A_354 = arith.addf %add3A_339, %mul3A_353 : vector<16xf32>
      %mul3A_355 = arith.mulf %gather3A_346, %gather3A_347 : vector<16xf32>
      %add3A_356 = arith.addf %add3A_341, %mul3A_355 : vector<16xf32>
      %mul3A_357 = arith.mulf %gather3A_346, %gather3A_348 : vector<16xf32>
      %add3A_358 = arith.addf %add3A_343, %mul3A_357 : vector<16xf32>
      %broadcast_in_dim3A_359 = arith.constant 22 : i32
      %broadcast_in_dim3A_360 = vector.broadcast %broadcast_in_dim3A_359 : i32 to vector<16xi32>
      %gather3A_361 = tpu.vector_load_idx %arg11[%add3A_27, %broadcast_in_dim3A_360] : memref<512x32xf32, #tpu.memory_space<vmem>>[vector<16xi32>, vector<16xi32>], vector<16xf32>,
      %gather3A_362 = tpu.vector_load_idx %arg12[%add3A_27, %broadcast_in_dim3A_360] : memref<512x32xf32, #tpu.memory_space<vmem>>[vector<16xi32>, vector<16xi32>], vector<16xf32>,
      %gather3A_363 = tpu.vector_load_idx %arg13[%add3A_27, %broadcast_in_dim3A_360] : memref<512x32xf32, #tpu.memory_space<vmem>>[vector<16xi32>, vector<16xi32>], vector<16xf32>,
      %mul3A_364 = arith.mulf %gather3A_361, %gather3A_361 : vector<16xf32>
      %add3A_365 = arith.addf %add3A_350, %mul3A_364 : vector<16xf32>
      %mul3A_366 = arith.mulf %gather3A_362, %gather3A_362 : vector<16xf32>
      %add3A_367 = arith.addf %add3A_352, %mul3A_366 : vector<16xf32>
      %mul3A_368 = arith.mulf %gather3A_363, %gather3A_363 : vector<16xf32>
      %add3A_369 = arith.addf %add3A_354, %mul3A_368 : vector<16xf32>
      %mul3A_370 = arith.mulf %gather3A_361, %gather3A_362 : vector<16xf32>
      %add3A_371 = arith.addf %add3A_356, %mul3A_370 : vector<16xf32>
      %mul3A_372 = arith.mulf %gather3A_361, %gather3A_363 : vector<16xf32>
      %add3A_373 = arith.addf %add3A_358, %mul3A_372 : vector<16xf32>
      %broadcast_in_dim3A_374 = arith.constant 23 : i32
      %broadcast_in_dim3A_375 = vector.broadcast %broadcast_in_dim3A_374 : i32 to vector<16xi32>
      %gather3A_376 = tpu.vector_load_idx %arg11[%add3A_27, %broadcast_in_dim3A_375] : memref<512x32xf32, #tpu.memory_space<vmem>>[vector<16xi32>, vector<16xi32>], vector<16xf32>,
      %gather3A_377 = tpu.vector_load_idx %arg12[%add3A_27, %broadcast_in_dim3A_375] : memref<512x32xf32, #tpu.memory_space<vmem>>[vector<16xi32>, vector<16xi32>], vector<16xf32>,
      %gather3A_378 = tpu.vector_load_idx %arg13[%add3A_27, %broadcast_in_dim3A_375] : memref<512x32xf32, #tpu.memory_space<vmem>>[vector<16xi32>, vector<16xi32>], vector<16xf32>,
      %mul3A_379 = arith.mulf %gather3A_376, %gather3A_376 : vector<16xf32>
      %add3A_380 = arith.addf %add3A_365, %mul3A_379 : vector<16xf32>
      %mul3A_381 = arith.mulf %gather3A_377, %gather3A_377 : vector<16xf32>
      %add3A_382 = arith.addf %add3A_367, %mul3A_381 : vector<16xf32>
      %mul3A_383 = arith.mulf %gather3A_378, %gather3A_378 : vector<16xf32>
      %add3A_384 = arith.addf %add3A_369, %mul3A_383 : vector<16xf32>
      %mul3A_385 = arith.mulf %gather3A_376, %gather3A_377 : vector<16xf32>
      %add3A_386 = arith.addf %add3A_371, %mul3A_385 : vector<16xf32>
      %mul3A_387 = arith.mulf %gather3A_376, %gather3A_378 : vector<16xf32>
      %add3A_388 = arith.addf %add3A_373, %mul3A_387 : vector<16xf32>
      %broadcast_in_dim3A_389 = arith.constant 24 : i32
      %broadcast_in_dim3A_390 = vector.broadcast %broadcast_in_dim3A_389 : i32 to vector<16xi32>
      %gather3A_391 = tpu.vector_load_idx %arg11[%add3A_27, %broadcast_in_dim3A_390] : memref<512x32xf32, #tpu.memory_space<vmem>>[vector<16xi32>, vector<16xi32>], vector<16xf32>,
      %gather3A_392 = tpu.vector_load_idx %arg12[%add3A_27, %broadcast_in_dim3A_390] : memref<512x32xf32, #tpu.memory_space<vmem>>[vector<16xi32>, vector<16xi32>], vector<16xf32>,
      %gather3A_393 = tpu.vector_load_idx %arg13[%add3A_27, %broadcast_in_dim3A_390] : memref<512x32xf32, #tpu.memory_space<vmem>>[vector<16xi32>, vector<16xi32>], vector<16xf32>,
      %mul3A_394 = arith.mulf %gather3A_391, %gather3A_391 : vector<16xf32>
      %add3A_395 = arith.addf %add3A_380, %mul3A_394 : vector<16xf32>
      %mul3A_396 = arith.mulf %gather3A_392, %gather3A_392 : vector<16xf32>
      %add3A_397 = arith.addf %add3A_382, %mul3A_396 : vector<16xf32>
      %mul3A_398 = arith.mulf %gather3A_393, %gather3A_393 : vector<16xf32>
      %add3A_399 = arith.addf %add3A_384, %mul3A_398 : vector<16xf32>
      %mul3A_400 = arith.mulf %gather3A_391, %gather3A_392 : vector<16xf32>
      %add3A_401 = arith.addf %add3A_386, %mul3A_400 : vector<16xf32>
      %mul3A_402 = arith.mulf %gather3A_391, %gather3A_393 : vector<16xf32>
      %add3A_403 = arith.addf %add3A_388, %mul3A_402 : vector<16xf32>
      %broadcast_in_dim3A_404 = arith.constant 25 : i32
      %broadcast_in_dim3A_405 = vector.broadcast %broadcast_in_dim3A_404 : i32 to vector<16xi32>
      %gather3A_406 = tpu.vector_load_idx %arg11[%add3A_27, %broadcast_in_dim3A_405] : memref<512x32xf32, #tpu.memory_space<vmem>>[vector<16xi32>, vector<16xi32>], vector<16xf32>,
      %gather3A_407 = tpu.vector_load_idx %arg12[%add3A_27, %broadcast_in_dim3A_405] : memref<512x32xf32, #tpu.memory_space<vmem>>[vector<16xi32>, vector<16xi32>], vector<16xf32>,
      %gather3A_408 = tpu.vector_load_idx %arg13[%add3A_27, %broadcast_in_dim3A_405] : memref<512x32xf32, #tpu.memory_space<vmem>>[vector<16xi32>, vector<16xi32>], vector<16xf32>,
      %mul3A_409 = arith.mulf %gather3A_406, %gather3A_406 : vector<16xf32>
      %add3A_410 = arith.addf %add3A_395, %mul3A_409 : vector<16xf32>
      %mul3A_411 = arith.mulf %gather3A_407, %gather3A_407 : vector<16xf32>
      %add3A_412 = arith.addf %add3A_397, %mul3A_411 : vector<16xf32>
      %mul3A_413 = arith.mulf %gather3A_408, %gather3A_408 : vector<16xf32>
      %add3A_414 = arith.addf %add3A_399, %mul3A_413 : vector<16xf32>
      %mul3A_415 = arith.mulf %gather3A_406, %gather3A_407 : vector<16xf32>
      %add3A_416 = arith.addf %add3A_401, %mul3A_415 : vector<16xf32>
      %mul3A_417 = arith.mulf %gather3A_406, %gather3A_408 : vector<16xf32>
      %add3A_418 = arith.addf %add3A_403, %mul3A_417 : vector<16xf32>
      %broadcast_in_dim3A_419 = arith.constant 26 : i32
      %broadcast_in_dim3A_420 = vector.broadcast %broadcast_in_dim3A_419 : i32 to vector<16xi32>
      %gather3A_421 = tpu.vector_load_idx %arg11[%add3A_27, %broadcast_in_dim3A_420] : memref<512x32xf32, #tpu.memory_space<vmem>>[vector<16xi32>, vector<16xi32>], vector<16xf32>,
      %gather3A_422 = tpu.vector_load_idx %arg12[%add3A_27, %broadcast_in_dim3A_420] : memref<512x32xf32, #tpu.memory_space<vmem>>[vector<16xi32>, vector<16xi32>], vector<16xf32>,
      %gather3A_423 = tpu.vector_load_idx %arg13[%add3A_27, %broadcast_in_dim3A_420] : memref<512x32xf32, #tpu.memory_space<vmem>>[vector<16xi32>, vector<16xi32>], vector<16xf32>,
      %mul3A_424 = arith.mulf %gather3A_421, %gather3A_421 : vector<16xf32>
      %add3A_425 = arith.addf %add3A_410, %mul3A_424 : vector<16xf32>
      %mul3A_426 = arith.mulf %gather3A_422, %gather3A_422 : vector<16xf32>
      %add3A_427 = arith.addf %add3A_412, %mul3A_426 : vector<16xf32>
      %mul3A_428 = arith.mulf %gather3A_423, %gather3A_423 : vector<16xf32>
      %add3A_429 = arith.addf %add3A_414, %mul3A_428 : vector<16xf32>
      %mul3A_430 = arith.mulf %gather3A_421, %gather3A_422 : vector<16xf32>
      %add3A_431 = arith.addf %add3A_416, %mul3A_430 : vector<16xf32>
      %mul3A_432 = arith.mulf %gather3A_421, %gather3A_423 : vector<16xf32>
      %add3A_433 = arith.addf %add3A_418, %mul3A_432 : vector<16xf32>
      %broadcast_in_dim3A_434 = arith.constant 27 : i32
      %broadcast_in_dim3A_435 = vector.broadcast %broadcast_in_dim3A_434 : i32 to vector<16xi32>
      %gather3A_436 = tpu.vector_load_idx %arg11[%add3A_27, %broadcast_in_dim3A_435] : memref<512x32xf32, #tpu.memory_space<vmem>>[vector<16xi32>, vector<16xi32>], vector<16xf32>,
      %gather3A_437 = tpu.vector_load_idx %arg12[%add3A_27, %broadcast_in_dim3A_435] : memref<512x32xf32, #tpu.memory_space<vmem>>[vector<16xi32>, vector<16xi32>], vector<16xf32>,
      %gather3A_438 = tpu.vector_load_idx %arg13[%add3A_27, %broadcast_in_dim3A_435] : memref<512x32xf32, #tpu.memory_space<vmem>>[vector<16xi32>, vector<16xi32>], vector<16xf32>,
      %mul3A_439 = arith.mulf %gather3A_436, %gather3A_436 : vector<16xf32>
      %add3A_440 = arith.addf %add3A_425, %mul3A_439 : vector<16xf32>
      %mul3A_441 = arith.mulf %gather3A_437, %gather3A_437 : vector<16xf32>
      %add3A_442 = arith.addf %add3A_427, %mul3A_441 : vector<16xf32>
      %mul3A_443 = arith.mulf %gather3A_438, %gather3A_438 : vector<16xf32>
      %add3A_444 = arith.addf %add3A_429, %mul3A_443 : vector<16xf32>
      %mul3A_445 = arith.mulf %gather3A_436, %gather3A_437 : vector<16xf32>
      %add3A_446 = arith.addf %add3A_431, %mul3A_445 : vector<16xf32>
      %mul3A_447 = arith.mulf %gather3A_436, %gather3A_438 : vector<16xf32>
      %add3A_448 = arith.addf %add3A_433, %mul3A_447 : vector<16xf32>
      %broadcast_in_dim3A_449 = arith.constant 28 : i32
      %broadcast_in_dim3A_450 = vector.broadcast %broadcast_in_dim3A_449 : i32 to vector<16xi32>
      %gather3A_451 = tpu.vector_load_idx %arg11[%add3A_27, %broadcast_in_dim3A_450] : memref<512x32xf32, #tpu.memory_space<vmem>>[vector<16xi32>, vector<16xi32>], vector<16xf32>,
      %gather3A_452 = tpu.vector_load_idx %arg12[%add3A_27, %broadcast_in_dim3A_450] : memref<512x32xf32, #tpu.memory_space<vmem>>[vector<16xi32>, vector<16xi32>], vector<16xf32>,
      %gather3A_453 = tpu.vector_load_idx %arg13[%add3A_27, %broadcast_in_dim3A_450] : memref<512x32xf32, #tpu.memory_space<vmem>>[vector<16xi32>, vector<16xi32>], vector<16xf32>,
      %mul3A_454 = arith.mulf %gather3A_451, %gather3A_451 : vector<16xf32>
      %add3A_455 = arith.addf %add3A_440, %mul3A_454 : vector<16xf32>
      %mul3A_456 = arith.mulf %gather3A_452, %gather3A_452 : vector<16xf32>
      %add3A_457 = arith.addf %add3A_442, %mul3A_456 : vector<16xf32>
      %mul3A_458 = arith.mulf %gather3A_453, %gather3A_453 : vector<16xf32>
      %add3A_459 = arith.addf %add3A_444, %mul3A_458 : vector<16xf32>
      %mul3A_460 = arith.mulf %gather3A_451, %gather3A_452 : vector<16xf32>
      %add3A_461 = arith.addf %add3A_446, %mul3A_460 : vector<16xf32>
      %mul3A_462 = arith.mulf %gather3A_451, %gather3A_453 : vector<16xf32>
      %add3A_463 = arith.addf %add3A_448, %mul3A_462 : vector<16xf32>
      %broadcast_in_dim3A_464 = arith.constant 29 : i32
      %broadcast_in_dim3A_465 = vector.broadcast %broadcast_in_dim3A_464 : i32 to vector<16xi32>
      %gather3A_466 = tpu.vector_load_idx %arg11[%add3A_27, %broadcast_in_dim3A_465] : memref<512x32xf32, #tpu.memory_space<vmem>>[vector<16xi32>, vector<16xi32>], vector<16xf32>,
      %gather3A_467 = tpu.vector_load_idx %arg12[%add3A_27, %broadcast_in_dim3A_465] : memref<512x32xf32, #tpu.memory_space<vmem>>[vector<16xi32>, vector<16xi32>], vector<16xf32>,
      %gather3A_468 = tpu.vector_load_idx %arg13[%add3A_27, %broadcast_in_dim3A_465] : memref<512x32xf32, #tpu.memory_space<vmem>>[vector<16xi32>, vector<16xi32>], vector<16xf32>,
      %mul3A_469 = arith.mulf %gather3A_466, %gather3A_466 : vector<16xf32>
      %add3A_470 = arith.addf %add3A_455, %mul3A_469 : vector<16xf32>
      %mul3A_471 = arith.mulf %gather3A_467, %gather3A_467 : vector<16xf32>
      %add3A_472 = arith.addf %add3A_457, %mul3A_471 : vector<16xf32>
      %mul3A_473 = arith.mulf %gather3A_468, %gather3A_468 : vector<16xf32>
      %add3A_474 = arith.addf %add3A_459, %mul3A_473 : vector<16xf32>
      %mul3A_475 = arith.mulf %gather3A_466, %gather3A_467 : vector<16xf32>
      %add3A_476 = arith.addf %add3A_461, %mul3A_475 : vector<16xf32>
      %mul3A_477 = arith.mulf %gather3A_466, %gather3A_468 : vector<16xf32>
      %add3A_478 = arith.addf %add3A_463, %mul3A_477 : vector<16xf32>
      %broadcast_in_dim3A_479 = arith.constant 30 : i32
      %broadcast_in_dim3A_480 = vector.broadcast %broadcast_in_dim3A_479 : i32 to vector<16xi32>
      %gather3A_481 = tpu.vector_load_idx %arg11[%add3A_27, %broadcast_in_dim3A_480] : memref<512x32xf32, #tpu.memory_space<vmem>>[vector<16xi32>, vector<16xi32>], vector<16xf32>,
      %gather3A_482 = tpu.vector_load_idx %arg12[%add3A_27, %broadcast_in_dim3A_480] : memref<512x32xf32, #tpu.memory_space<vmem>>[vector<16xi32>, vector<16xi32>], vector<16xf32>,
      %gather3A_483 = tpu.vector_load_idx %arg13[%add3A_27, %broadcast_in_dim3A_480] : memref<512x32xf32, #tpu.memory_space<vmem>>[vector<16xi32>, vector<16xi32>], vector<16xf32>,
      %mul3A_484 = arith.mulf %gather3A_481, %gather3A_481 : vector<16xf32>
      %add3A_485 = arith.addf %add3A_470, %mul3A_484 : vector<16xf32>
      %mul3A_486 = arith.mulf %gather3A_482, %gather3A_482 : vector<16xf32>
      %add3A_487 = arith.addf %add3A_472, %mul3A_486 : vector<16xf32>
      %mul3A_488 = arith.mulf %gather3A_483, %gather3A_483 : vector<16xf32>
      %add3A_489 = arith.addf %add3A_474, %mul3A_488 : vector<16xf32>
      %mul3A_490 = arith.mulf %gather3A_481, %gather3A_482 : vector<16xf32>
      %add3A_491 = arith.addf %add3A_476, %mul3A_490 : vector<16xf32>
      %mul3A_492 = arith.mulf %gather3A_481, %gather3A_483 : vector<16xf32>
      %add3A_493 = arith.addf %add3A_478, %mul3A_492 : vector<16xf32>
      %broadcast_in_dim3A_494 = arith.constant 31 : i32
      %broadcast_in_dim3A_495 = vector.broadcast %broadcast_in_dim3A_494 : i32 to vector<16xi32>
      %gather3A_496 = tpu.vector_load_idx %arg11[%add3A_27, %broadcast_in_dim3A_495] : memref<512x32xf32, #tpu.memory_space<vmem>>[vector<16xi32>, vector<16xi32>], vector<16xf32>,
      %gather3A_497 = tpu.vector_load_idx %arg12[%add3A_27, %broadcast_in_dim3A_495] : memref<512x32xf32, #tpu.memory_space<vmem>>[vector<16xi32>, vector<16xi32>], vector<16xf32>,
      %gather3A_498 = tpu.vector_load_idx %arg13[%add3A_27, %broadcast_in_dim3A_495] : memref<512x32xf32, #tpu.memory_space<vmem>>[vector<16xi32>, vector<16xi32>], vector<16xf32>,
      %mul3A_499 = arith.mulf %gather3A_496, %gather3A_496 : vector<16xf32>
      %add3A_500 = arith.addf %add3A_485, %mul3A_499 : vector<16xf32>
      %mul3A_501 = arith.mulf %gather3A_497, %gather3A_497 : vector<16xf32>
      %add3A_502 = arith.addf %add3A_487, %mul3A_501 : vector<16xf32>
      %mul3A_503 = arith.mulf %gather3A_498, %gather3A_498 : vector<16xf32>
      %add3A_504 = arith.addf %add3A_489, %mul3A_503 : vector<16xf32>
      %mul3A_505 = arith.mulf %gather3A_496, %gather3A_497 : vector<16xf32>
      %add3A_506 = arith.addf %add3A_491, %mul3A_505 : vector<16xf32>
      %mul3A_507 = arith.mulf %gather3A_496, %gather3A_498 : vector<16xf32>
      %add3A_508 = arith.addf %add3A_493, %mul3A_507 : vector<16xf32>
      %bitcast3A = vector.bitcast %add3A_500 : vector<16xf32> to vector<16xi32>
      %shift_right_arithmetic3A = arith.constant 1 : i32
      %shift_right_arithmetic3A_509 = vector.broadcast %shift_right_arithmetic3A : i32 to vector<16xi32>
      %shift_right_arithmetic3A_510 = arith.shrsi %bitcast3A, %shift_right_arithmetic3A_509 : vector<16xi32>
      %sub3A = arith.constant 1597463007 : i32
      %sub3A_511 = vector.broadcast %sub3A : i32 to vector<16xi32>
      %sub3A_512 = arith.subi %sub3A_511, %shift_right_arithmetic3A_510 : vector<16xi32>
      %bitcast3A_513 = vector.bitcast %sub3A_512 : vector<16xi32> to vector<16xf32>
      %mul3A_514 = arith.constant 5.000000e-01 : f32
      %mul3A_515 = vector.broadcast %mul3A_514 : f32 to vector<16xf32>
      %mul3A_516 = arith.mulf %mul3A_515, %add3A_500 : vector<16xf32>
      %mul3A_517 = arith.mulf %mul3A_516, %bitcast3A_513 : vector<16xf32>
      %mul3A_518 = arith.mulf %mul3A_517, %bitcast3A_513 : vector<16xf32>
      %sub3A_519 = arith.constant 1.500000e+00 : f32
      %sub3A_520 = vector.broadcast %sub3A_519 : f32 to vector<16xf32>
      %sub3A_521 = arith.subf %sub3A_520, %mul3A_518 : vector<16xf32>
      %mul3A_522 = arith.mulf %bitcast3A_513, %sub3A_521 : vector<16xf32>
      %mul3A_523 = arith.constant 5.000000e-01 : f32
      %mul3A_524 = vector.broadcast %mul3A_523 : f32 to vector<16xf32>
      %mul3A_525 = arith.mulf %mul3A_524, %add3A_500 : vector<16xf32>
      %mul3A_526 = arith.mulf %mul3A_525, %mul3A_522 : vector<16xf32>
      %mul3A_527 = arith.mulf %mul3A_526, %mul3A_522 : vector<16xf32>
      %sub3A_528 = arith.constant 1.500000e+00 : f32
      %sub3A_529 = vector.broadcast %sub3A_528 : f32 to vector<16xf32>
      %sub3A_530 = arith.subf %sub3A_529, %mul3A_527 : vector<16xf32>
      %mul3A_531 = arith.mulf %mul3A_522, %sub3A_530 : vector<16xf32>
      %mul3A_532 = arith.constant 5.000000e-01 : f32
      %mul3A_533 = vector.broadcast %mul3A_532 : f32 to vector<16xf32>
      %mul3A_534 = arith.mulf %mul3A_533, %add3A_500 : vector<16xf32>
      %mul3A_535 = arith.mulf %mul3A_534, %mul3A_531 : vector<16xf32>
      %mul3A_536 = arith.mulf %mul3A_535, %mul3A_531 : vector<16xf32>
      %sub3A_537 = arith.constant 1.500000e+00 : f32
      %sub3A_538 = vector.broadcast %sub3A_537 : f32 to vector<16xf32>
      %sub3A_539 = arith.subf %sub3A_538, %mul3A_536 : vector<16xf32>
      %mul3A_540 = arith.mulf %mul3A_531, %sub3A_539 : vector<16xf32>
      %mul3A_541 = arith.mulf %add3A_500, %mul3A_540 : vector<16xf32>
      %gt3A = arith.constant 1.000000e+00 : f32
      %gt3A_542 = vector.broadcast %gt3A : f32 to vector<16xf32>
      %gt3A_543 = arith.cmpf ogt, %add3A_500, %gt3A_542 : vector<16xf32>
      %add3A_544 = arith.constant 1.000000e-07 : f32
      %add3A_545 = vector.broadcast %add3A_544 : f32 to vector<16xf32>
      %add3A_546 = arith.addf %mul3A_541, %add3A_545 : vector<16xf32>
      %div3A = arith.constant 1.000000e+00 : f32
      %div3A_547 = vector.broadcast %div3A : f32 to vector<16xf32>
      %div3A_548 = arith.divf %div3A_547, %add3A_546 : vector<16xf32>
      %jit3A = arith.constant 1.000000e+00 : f32
      %broadcast_in_dim3A_549 = vector.broadcast %jit3A : f32 to vector<16xf32>
      %select_n3A = arith.select %gt3A_543, %div3A_548, %broadcast_in_dim3A_549 : vector<16xi1>, vector<16xf32>
      %bitcast3A_550 = vector.bitcast %add3A_502 : vector<16xf32> to vector<16xi32>
      %shift_right_arithmetic3A_551 = arith.constant 1 : i32
      %shift_right_arithmetic3A_552 = vector.broadcast %shift_right_arithmetic3A_551 : i32 to vector<16xi32>
      %shift_right_arithmetic3A_553 = arith.shrsi %bitcast3A_550, %shift_right_arithmetic3A_552 : vector<16xi32>
      %sub3A_554 = arith.constant 1597463007 : i32
      %sub3A_555 = vector.broadcast %sub3A_554 : i32 to vector<16xi32>
      %sub3A_556 = arith.subi %sub3A_555, %shift_right_arithmetic3A_553 : vector<16xi32>
      %bitcast3A_557 = vector.bitcast %sub3A_556 : vector<16xi32> to vector<16xf32>
      %mul3A_558 = arith.constant 5.000000e-01 : f32
      %mul3A_559 = vector.broadcast %mul3A_558 : f32 to vector<16xf32>
      %mul3A_560 = arith.mulf %mul3A_559, %add3A_502 : vector<16xf32>
      %mul3A_561 = arith.mulf %mul3A_560, %bitcast3A_557 : vector<16xf32>
      %mul3A_562 = arith.mulf %mul3A_561, %bitcast3A_557 : vector<16xf32>
      %sub3A_563 = arith.constant 1.500000e+00 : f32
      %sub3A_564 = vector.broadcast %sub3A_563 : f32 to vector<16xf32>
      %sub3A_565 = arith.subf %sub3A_564, %mul3A_562 : vector<16xf32>
      %mul3A_566 = arith.mulf %bitcast3A_557, %sub3A_565 : vector<16xf32>
      %mul3A_567 = arith.constant 5.000000e-01 : f32
      %mul3A_568 = vector.broadcast %mul3A_567 : f32 to vector<16xf32>
      %mul3A_569 = arith.mulf %mul3A_568, %add3A_502 : vector<16xf32>
      %mul3A_570 = arith.mulf %mul3A_569, %mul3A_566 : vector<16xf32>
      %mul3A_571 = arith.mulf %mul3A_570, %mul3A_566 : vector<16xf32>
      %sub3A_572 = arith.constant 1.500000e+00 : f32
      %sub3A_573 = vector.broadcast %sub3A_572 : f32 to vector<16xf32>
      %sub3A_574 = arith.subf %sub3A_573, %mul3A_571 : vector<16xf32>
      %mul3A_575 = arith.mulf %mul3A_566, %sub3A_574 : vector<16xf32>
      %mul3A_576 = arith.constant 5.000000e-01 : f32
      %mul3A_577 = vector.broadcast %mul3A_576 : f32 to vector<16xf32>
      %mul3A_578 = arith.mulf %mul3A_577, %add3A_502 : vector<16xf32>
      %mul3A_579 = arith.mulf %mul3A_578, %mul3A_575 : vector<16xf32>
      %mul3A_580 = arith.mulf %mul3A_579, %mul3A_575 : vector<16xf32>
      %sub3A_581 = arith.constant 1.500000e+00 : f32
      %sub3A_582 = vector.broadcast %sub3A_581 : f32 to vector<16xf32>
      %sub3A_583 = arith.subf %sub3A_582, %mul3A_580 : vector<16xf32>
      %mul3A_584 = arith.mulf %mul3A_575, %sub3A_583 : vector<16xf32>
      %mul3A_585 = arith.mulf %add3A_502, %mul3A_584 : vector<16xf32>
      %gt3A_586 = arith.constant 1.000000e+00 : f32
      %gt3A_587 = vector.broadcast %gt3A_586 : f32 to vector<16xf32>
      %gt3A_588 = arith.cmpf ogt, %add3A_502, %gt3A_587 : vector<16xf32>
      %add3A_589 = arith.constant 1.000000e-07 : f32
      %add3A_590 = vector.broadcast %add3A_589 : f32 to vector<16xf32>
      %add3A_591 = arith.addf %mul3A_585, %add3A_590 : vector<16xf32>
      %div3A_592 = arith.constant 1.000000e+00 : f32
      %div3A_593 = vector.broadcast %div3A_592 : f32 to vector<16xf32>
      %div3A_594 = arith.divf %div3A_593, %add3A_591 : vector<16xf32>
      %jit3A_595 = arith.constant 1.000000e+00 : f32
      %broadcast_in_dim3A_596 = vector.broadcast %jit3A_595 : f32 to vector<16xf32>
      %select_n3A_597 = arith.select %gt3A_588, %div3A_594, %broadcast_in_dim3A_596 : vector<16xi1>, vector<16xf32>
      %bitcast3A_598 = vector.bitcast %add3A_504 : vector<16xf32> to vector<16xi32>
      %shift_right_arithmetic3A_599 = arith.constant 1 : i32
      %shift_right_arithmetic3A_600 = vector.broadcast %shift_right_arithmetic3A_599 : i32 to vector<16xi32>
      %shift_right_arithmetic3A_601 = arith.shrsi %bitcast3A_598, %shift_right_arithmetic3A_600 : vector<16xi32>
      %sub3A_602 = arith.constant 1597463007 : i32
      %sub3A_603 = vector.broadcast %sub3A_602 : i32 to vector<16xi32>
      %sub3A_604 = arith.subi %sub3A_603, %shift_right_arithmetic3A_601 : vector<16xi32>
      %bitcast3A_605 = vector.bitcast %sub3A_604 : vector<16xi32> to vector<16xf32>
      %mul3A_606 = arith.constant 5.000000e-01 : f32
      %mul3A_607 = vector.broadcast %mul3A_606 : f32 to vector<16xf32>
      %mul3A_608 = arith.mulf %mul3A_607, %add3A_504 : vector<16xf32>
      %mul3A_609 = arith.mulf %mul3A_608, %bitcast3A_605 : vector<16xf32>
      %mul3A_610 = arith.mulf %mul3A_609, %bitcast3A_605 : vector<16xf32>
      %sub3A_611 = arith.constant 1.500000e+00 : f32
      %sub3A_612 = vector.broadcast %sub3A_611 : f32 to vector<16xf32>
      %sub3A_613 = arith.subf %sub3A_612, %mul3A_610 : vector<16xf32>
      %mul3A_614 = arith.mulf %bitcast3A_605, %sub3A_613 : vector<16xf32>
      %mul3A_615 = arith.constant 5.000000e-01 : f32
      %mul3A_616 = vector.broadcast %mul3A_615 : f32 to vector<16xf32>
      %mul3A_617 = arith.mulf %mul3A_616, %add3A_504 : vector<16xf32>
      %mul3A_618 = arith.mulf %mul3A_617, %mul3A_614 : vector<16xf32>
      %mul3A_619 = arith.mulf %mul3A_618, %mul3A_614 : vector<16xf32>
      %sub3A_620 = arith.constant 1.500000e+00 : f32
      %sub3A_621 = vector.broadcast %sub3A_620 : f32 to vector<16xf32>
      %sub3A_622 = arith.subf %sub3A_621, %mul3A_619 : vector<16xf32>
      %mul3A_623 = arith.mulf %mul3A_614, %sub3A_622 : vector<16xf32>
      %mul3A_624 = arith.constant 5.000000e-01 : f32
      %mul3A_625 = vector.broadcast %mul3A_624 : f32 to vector<16xf32>
      %mul3A_626 = arith.mulf %mul3A_625, %add3A_504 : vector<16xf32>
      %mul3A_627 = arith.mulf %mul3A_626, %mul3A_623 : vector<16xf32>
      %mul3A_628 = arith.mulf %mul3A_627, %mul3A_623 : vector<16xf32>
      %sub3A_629 = arith.constant 1.500000e+00 : f32
      %sub3A_630 = vector.broadcast %sub3A_629 : f32 to vector<16xf32>
      %sub3A_631 = arith.subf %sub3A_630, %mul3A_628 : vector<16xf32>
      %mul3A_632 = arith.mulf %mul3A_623, %sub3A_631 : vector<16xf32>
      %mul3A_633 = arith.mulf %add3A_504, %mul3A_632 : vector<16xf32>
      %gt3A_634 = arith.constant 1.000000e+00 : f32
      %gt3A_635 = vector.broadcast %gt3A_634 : f32 to vector<16xf32>
      %gt3A_636 = arith.cmpf ogt, %add3A_504, %gt3A_635 : vector<16xf32>
      %add3A_637 = arith.constant 1.000000e-07 : f32
      %add3A_638 = vector.broadcast %add3A_637 : f32 to vector<16xf32>
      %add3A_639 = arith.addf %mul3A_633, %add3A_638 : vector<16xf32>
      %div3A_640 = arith.constant 1.000000e+00 : f32
      %div3A_641 = vector.broadcast %div3A_640 : f32 to vector<16xf32>
      %div3A_642 = arith.divf %div3A_641, %add3A_639 : vector<16xf32>
      %jit3A_643 = arith.constant 1.000000e+00 : f32
      %broadcast_in_dim3A_644 = vector.broadcast %jit3A_643 : f32 to vector<16xf32>
      %select_n3A_645 = arith.select %gt3A_636, %div3A_642, %broadcast_in_dim3A_644 : vector<16xi1>, vector<16xf32>
      %mul3A_646 = arith.mulf %select_n3A_597, %add3A_506 : vector<16xf32>
      %mul3A_647 = arith.mulf %select_n3A_645, %add3A_508 : vector<16xf32>
      %sub3A_648 = arith.subf %mul3A_646, %mul3A_647 : vector<16xf32>
      %mul3A_649 = arith.mulf %select_n3A, %sub3A_648 : vector<16xf32>
      %neg3A = arith.constant 0.000000e+00 : f32
      %neg3A_650 = vector.broadcast %neg3A : f32 to vector<16xf32>
      %neg3A_651 = arith.subf %neg3A_650, %mul3A_649 : vector<16xf32>
      %exp3A = math.exp %neg3A_651 : vector<16xf32>
      %add3A_652 = arith.constant 1.000000e+00 : f32
      %add3A_653 = vector.broadcast %add3A_652 : f32 to vector<16xf32>
      %add3A_654 = arith.addf %add3A_653, %exp3A : vector<16xf32>
      %div3A_655 = arith.constant 1.000000e+00 : f32
      %div3A_656 = vector.broadcast %div3A_655 : f32 to vector<16xf32>
      %div3A_657 = arith.divf %div3A_656, %add3A_654 : vector<16xf32>
      %mul3A_658 = arith.constant 16 : i32
      %mul3A_659 = arith.muli %scan3A_24, %mul3A_658 : i32
      %swap3A = arith.index_cast %mul3A_659 : i32 to index
      %swap3A_660 = tpu.vector_load %arg14[%swap3A] {strides = array<i32>} : memref<512xf32, #tpu.memory_space<vmem>>, vector<16xf32>,
      tpu.vector_store %arg14[%swap3A], %div3A_657 {strides = array<i32>} : memref<512xf32, #tpu.memory_space<vmem>>, vector<16xf32>,
    }
    %scan3A_23 = arith.constant 32 : i32
    "tpu.region"() ({
      %run_scoped3A = tpu.sem_alloc : memref<!tpu.dma_semaphore, #tpu.memory_space<semaphore_mem>>
      %dma_start3A_24 = tpu.memref_slice %arg7[%mul3A_2] : memref<16384xf32, #tpu.memory_space<hbm>> -> memref<512xf32, #tpu.memory_space<hbm>>
      %dma_start3A_25 = tpu.memref_slice %arg7[%mul3A_2] : memref<16384xf32, #tpu.memory_space<hbm>> -> memref<512xf32, #tpu.memory_space<hbm>>
      tpu.enqueue_dma source(%arg14 : memref<512xf32, #tpu.memory_space<vmem>>) target(%dma_start3A_25 : memref<512xf32, #tpu.memory_space<hbm>>) target_semaphore(%run_scoped3A : memref<!tpu.dma_semaphore, #tpu.memory_space<semaphore_mem>>)
      %dma_wait3A_26 = tpu.memref_slice %arg7[%mul3A_2] : memref<16384xf32, #tpu.memory_space<hbm>> -> memref<512xf32, #tpu.memory_space<hbm>>
      %dma_wait3A_27 = tpu.memref_slice %arg7[%mul3A_2] : memref<16384xf32, #tpu.memory_space<hbm>> -> memref<512xf32, #tpu.memory_space<hbm>>
      tpu.wait_dma2 semaphore(%run_scoped3A : memref<!tpu.dma_semaphore, #tpu.memory_space<semaphore_mem>>) src(%arg14 : memref<512xf32, #tpu.memory_space<vmem>>) dst(%dma_wait3A_27 : memref<512xf32, #tpu.memory_space<hbm>>)
      tpu.yield
    }) : () -> ()
    return
  }
}

</mosaic_0001>

<sc_bundles>
// kernel: kernel.3.cloned.1.call-start
scs
__scs_entry_jumppad:
0x0: {  	(pc) =	sbr.rel $0x88, $3  }
0x1: {  	(tag) =	ssettag $0x0;
	lr =	simm.s32 $0x1  }
0x2: {  	[smem:$0x3F9D] =	sst lr;
	_ =	strace $0xD0000000  }
0x3: {  	_ = 	snop  }
0x4: {  	_ = 	snop  }
0x5: {  	_ = 	snop  }
0x6: {  	_ = 	snop  }
0x7: {  	_ = 	snop  }
__scs_overlays_trampoline_lowered:
0x8: {  	[smem:$0x3FAC] =	sst s0  }
0x9: {  	[smem:$0x3FAD] =	sst s1  }
0xa: {  	[smem:$0x3FAE] =	sst s2  }
0xb: {  	[smem:$0x3FAF] =	sst s3  }
0xc: {  	[smem:$0x3FB0] =	sst s4  }
0xd: {  	[smem:$0x3FB1] =	sst s5  }
0xe: {  	[smem:$0x3FB2] =	sst s6  }
0xf: {  	[smem:$0x3FB3] =	sst s7  }
0x10: {  	[smem:$0x3FB4] =	sst s8  }
0x11: {  	[smem:$0x3FB5] =	sst s9;
	s0 =	simm.s32 @!p0 $0x0  }
0x12: {  	s1 =	sld [smem:$0x3F9B];
	s0 =	simm.s32 @p0 $0x1  }
0x13: {  	[smem:$0x3FB6] =	sst s0;
	s0 =	simm.s32 @!p1 $0x0  }
0x14: {  	s2 =	sld [smem:$0x3F9A];
	s0 =	simm.s32 @p1 $0x1  }
0x15: {  	[smem:$0x3FB7] =	sst s0;
	s0 =	simm.s32 @!p2 $0x0  }
0x16: {  	s3 =	sld [smem:$0x3FDB];
	s0 =	simm.s32 @p2 $0x1  }
0x17: {  	s4 =	simm.s32 $0x1BF5;
	[smem:$0x3FB9] =	sst s0  }
0x18: {  	s0 =	sld [smem:$0x3F9C];
	_ =	swait.ge [sflag:s4], $0x0  }
0x19: {  	s7 =	sld [smem:$0x3F9D]  }
0x1a: {  	s8 =	sadd.s32 $0xFFFFE003, lr  }
0x1b: {  	s9 =	sadd.s32 $0xFFFFFEF7, lr;
	s5 =	simm.s32 $0xFFFFFFFF;
	p2 =	slt.u32 s8, $0xFFFFF086  }
0x1c: {  	p1 =	slt.u32 s9, $0xF7A;
	s5 =	simm.s32 @!p2 $0x0  }
0x1d: {  	s5 =	simm.s32 @p1 $0x1;
	p0 =	seq.s32 s7, s2  }
0x1e: {  	s7 =	smul.u32 @!p0 $0xF7A, s2;
	p2 =	seq.s32 @!p0 s5, $0x0  }
0x1f: {  	s9 =	smul.u32 $0xF7A, s1;
	s8 =	simm.s32 @!p0 $0x1BF5;
	p2 =	por !p2, p0  }
0x20: {  	[sflag:s8] =	ssyncset.s32 @!p0 $0xFFFFF086;
	s6 =	sadd.s32 @!p0 s3, s7;
	s7 =	simm.s32 @!p0 $0x108  }
0x21: {  	s3 =	sadd.s32 s3, s9;
	s6 =	sadd.s32 @!p0 $0x88, s6;
	s7 =	simm.s32 @p2 $0x1082  }
0x22: {  	[simem:s7], [sflag:s8] =	dma.local @!p0 [hbm:s6], $0xF7A  }
0x23: {  	s9 =	sor.u32 $0xD0000000, s2;
	s6 =	simm.s32 $0x108;
	_ =	swait.ge @!p0 [sflag:s8], $0x0  }
0x24: {  	s3 =	sadd.s32 $0x88, s3;
	s6 =	simm.s32 @!p1 $0x1082;
	[sflag:s4] =	ssyncset.s32 $0xFFFFF086  }
0x25: {  	[simem:s6], [sflag:s4] =	dma.local [hbm:s3], $0xF7A  }
0x26: {  	[smem:$0x3F9D] =	sst s1;
	(tag) =	ssettag s2;
	_ =	strace s9  }
0x27: {  	s1 =	sld [smem:$0x3FAD]  }
0x28: {  	s2 =	sld [smem:$0x3FAE]  }
0x29: {  	s4 =	sld [smem:$0x3FB0]  }
0x2a: {  	p0 =	seq.s32 s5, $0x0;
	s5 =	sld [smem:$0x3FB1]  }
0x2b: {  	s6 =	sld [smem:$0x3FB2]  }
0x2c: {  	s7 =	sld [smem:$0x3FB3]  }
0x2d: {  	s3 =	simm.s32 $0x108;
	s8 =	sld [smem:$0x3FB4]  }
0x2e: {  	s3 =	simm.s32 @!p0 $0x1082;
	s9 =	sld [smem:$0x3FB5]  }
0x2f: {  	lr =	sadd.s32 s0, s3;
	s0 =	sld [smem:$0x3FAC]  }
0x30: {  	s3 =	sld [smem:$0x3FAF]  }
0x31: {  	[smem:$0x3FB8] =	sst s10  }
0x32: {  	s10 =	sld [smem:$0x3FB6];
	_ =	sdelay $0x3  }
0x33: {  	p0 =	seq.s32 s10, $0x1;
	s10 =	sld [smem:$0x3FB8];
	_ =	sdelay $0x3  }
0x34: {  	[smem:$0x3FB8] =	sst s10  }
0x35: {  	s10 =	sld [smem:$0x3FB7];
	_ =	sdelay $0x3  }
0x36: {  	p1 =	seq.s32 s10, $0x1;
	s10 =	sld [smem:$0x3FB8];
	_ =	sdelay $0x3  }
0x37: {  	[smem:$0x3FB8] =	sst s10  }
0x38: {  	s10 =	sld [smem:$0x3FB9]  }
0x39: {  	_ = 	snop;
	(pc) =	sbr.ind lr, $3  }
0x3a: {  	_ = 	snop  }
0x3b: {  	_ = 	snop  }
0x3c: {  	p2 =	seq.s32 s10, $0x1;
	s10 =	sld [smem:$0x3FB8]  }
0x3d: {  	_ =	shalt  }
0x3e: {  	_ =	shalt  }
0x3f: {  	_ =	shalt  }
0x40: {  	_ =	shalt  }
0x41: {  	_ =	shalt  }
0x42: {  	_ =	shalt  }
0x43: {  	_ =	shalt  }
0x44: {  	_ =	shalt  }
0x45: {  	_ =	shalt  }
0x46: {  	_ =	shalt  }
0x47: {  	_ =	shalt  }
0x48: {  	_ =	shalt  }
0x49: {  	_ =	shalt  }
0x4a: {  	_ =	shalt  }
0x4b: {  	_ =	shalt  }
0x4c: {  	_ =	shalt  }
0x4d: {  	_ =	shalt  }
0x4e: {  	_ =	shalt  }
0x4f: {  	_ =	shalt  }
0x50: {  	_ =	shalt  }
0x51: {  	_ =	shalt  }
0x52: {  	_ =	shalt  }
0x53: {  	_ =	shalt  }
0x54: {  	_ =	shalt  }
0x55: {  	_ =	shalt  }
0x56: {  	_ =	shalt  }
0x57: {  	_ =	shalt  }
0x58: {  	_ =	shalt  }
0x59: {  	_ =	shalt  }
0x5a: {  	_ =	shalt  }
0x5b: {  	_ =	shalt  }
0x5c: {  	_ =	shalt  }
0x5d: {  	_ =	shalt  }
0x5e: {  	_ =	shalt  }
0x5f: {  	_ =	shalt  }
0x60: {  	_ =	shalt  }
0x61: {  	_ =	shalt  }
0x62: {  	_ =	shalt  }
0x63: {  	_ =	shalt  }
0x64: {  	_ =	shalt  }
0x65: {  	_ =	shalt  }
0x66: {  	_ =	shalt  }
0x67: {  	_ =	shalt  }
0x68: {  	_ =	shalt  }
0x69: {  	_ =	shalt  }
0x6a: {  	_ =	shalt  }
0x6b: {  	_ =	shalt  }
0x6c: {  	_ =	shalt  }
0x6d: {  	_ =	shalt  }
0x6e: {  	_ =	shalt  }
0x6f: {  	_ =	shalt  }
0x70: {  	_ =	shalt  }
0x71: {  	_ =	shalt  }
0x72: {  	_ =	shalt  }
0x73: {  	_ =	shalt  }
0x74: {  	_ =	shalt  }
0x75: {  	_ =	shalt  }
0x76: {  	_ =	shalt  }
0x77: {  	_ =	shalt  }
0x78: {  	_ =	shalt  }
0x79: {  	_ =	shalt  }
0x7a: {  	_ =	shalt  }
0x7b: {  	_ =	shalt  }
0x7c: {  	_ =	shalt  }
0x7d: {  	_ =	shalt  }
0x7e: {  	_ =	shalt  }
0x7f: {  	_ =	shalt  }
0x80: {  	_ =	shalt  }
0x81: {  	_ =	shalt  }
0x82: {  	_ =	shalt  }
0x83: {  	_ =	shalt  }
0x84: {  	_ =	shalt  }
0x85: {  	_ =	shalt  }
0x86: {  	_ =	shalt  }
0x87: {  	_ =	shalt  }
.Lfunc_end0:
.L_simem_size_0:
called_computation_lowered:
.L_overlay_start_0:
0x88: {  	s2 =	sld [smem:$0x3FD9]  }
0x89: {  	s3 =	sld [smem:$0x3FFE];
	_ =	sdelay $0x1  }
0x8a: {  	s1 =	srdreg.scid  }
0x8b: {  	s0 =	sand.u32 $0x1, s1  }
0x8c: {  	s17 =	sshll.u32 s0, $0xA;
	s2 =	sadd.s32 s3, s2  }
0x8d: {  	s2 =	sadd.s32 s2, s17  }
0x8e: {  	[smem:$0x3FC4] =	sst s2  }
0x8f: {  	_ = 	snop  }
0x90: {  	s2 =	sld [smem:$0x3FD0];
	(tm) =	ssettm $0x1  }
0x91: {  	s18 =	sld [smem:$0x3FFB];
	_ =	sdelay $0x3  }
0x92: {  	_ =	strace s18  }
0x93: {  	s3 =	sld [smem:$0x3FFC];
	_ =	sdelay $0x3  }
0x94: {  	_ =	strace s3  }
0x95: {  	s3 =	sld [smem:$0x3FFD];
	_ =	sdelay $0x3  }
0x96: {  	_ =	strace s3  }
0x97: {  	_ =	strace $0x8FFFFFFF  }
0x98: {  	s19 =	sld [smem:$0x3FDB];
	_ =	sdelay $0x1  }
0x99: {  	s4 =	simm.s32 $_scs_section_size  }
0x9a: {  	s5 =	simm.s32 $_size__tile_overlayer_lowered;
	s6 =	simm.s32 $_tile_overlayer_lowered  }
0x9b: {  	s22 =	simm.s32 $0x1BFF;
	s21 =	sshll.u32 s6, $0x1;
	s3 =	sadd.s32 s4, s19  }
0x9c: {  	s7 =	simm.s32 $0x0;
	s20 =	sshll.u32 s5, $0x1;
	s5 =	sadd.s32 s21, s3  }
0x9d: {  	[timem:s7], [sflag:s22] =	dma.local [hbm:s5], s20  }
0x9e: {  	_ =	swait.ge [sflag:s22], s20  }
0x9f: {  	s4 =	ssub.s32 $0x0, s20;
	[sflag:s22] =	ssyncset.done $0x0  }
0xa0: {  	[sflag:s22] =	ssyncadd.s32 s4;
	_ =	sdelay $0x1  }
0xa1: {  	s23 =	simm.s32 $0x1B8B  }
0xa2: {  	_ =	swait.ge [sflag:s23], $0x1  }
0xa3: {  	[sflag:s23] =	ssyncset.done $0x0  }
0xa4: {  	s25 =	simm.s32 $0x1B8E;
	s24 =	sld [smem:$0x3FFE];
	[sflag:s23] =	ssyncadd.s32 $0xFFFFFFFF  }
0xa5: {  	s26 =	simm.s32 $execute0_lowered;
	[smem:$0x3FD2] =	sst s25  }
0xa6: {  	s5 =	sshll.u32 s26, $0x1;
	_ =	strace $0x80000046;
	[dreg:$0x1] =	wrdreg $0xFFFFFFFF  }
0xa7: {  	s28 =	simm.s32 $_size_execute0_lowered;
	s3 =	sadd.s32 s3, s5;
	[dreg:$0x0] =	wrdreg $0x0  }
0xa8: {  	s5 =	sshll.u32 s28, $0x1;
	[dreg:$0x2] =	wrdreg s3  }
0xa9: {  	[dreg:$0x3] =	wrdreg s5  }
0xaa: {  	[dreg:$0x4] =	wrdreg $0xC0  }
0xab: {  	_ =	task [dreg:s7], $0x5FFFF  }
0xac: {  	[dreg:$0x1] =	wrdreg $0xFFFFFFFF  }
0xad: {  	[dreg:$0x0] =	wrdreg $0x60  }
0xae: {  	[dreg:$0x2] =	wrdreg s24  }
0xaf: {  	[dreg:$0x3] =	wrdreg s2  }
0xb0: {  	[dreg:$0x4] =	wrdreg $0x9  }
0xb1: {  	_ =	task.clear_ibuf [dreg:s7], $0x5FFFF;
	_ =	strace $0x90000046  }
0xb2: {  	s29 =	simm.s32 $0x9;
	_ =	strace $0x80000048  }
0xb3: {  	_ =	swait.ge [sflag:s29], $0x1  }
0xb4: {  	[sflag:s29] =	ssyncadd.s32 $0xFFFFFFFF  }
0xb5: {  	_ =	strace $0x90000048  }
0xb6: {  	_ =	sfence  }
0xb7: {  	s30 =	sld [smem:$0x0];
	_ =	sdelay $0x2  }
0xb8: {  	s31 =	sshll.u32 s1, $0xD;
	s1 =	sshrl.u32 s1, $0x2  }
0xb9: {  	s3 =	sand.u32 $0x4000, s31;
	s1 =	sadd.s32 s1, s30  }
0xba: {  	s0 =	sor.u32 s3, s0;
	s1 =	sshll.u32 s1, $0x11  }
0xbb: {  	s0 =	sor.u32 s1, s0  }
0xbc: {  	s0 =	sadd.s32 $0x8F2B, s0  }
0xbd: {  	[sflag:s0] =	ssyncadd.remote.s32 $0x1  }
0xbe: {  	_ =	sfence.sel $0xFFFF  }
0xbf: {  	[dreg:$0x0] =	wrdreg $0xFFFFFFFF;
	(pc) =	sbr.abs _section_cstart, $3  }
0xc0: {  	[dreg:$0x1] =	wrdreg $0xFFFFFFFF  }
0xc1: {  	_ =	task.clear_ibuf [dreg:s7], $0x2FFFF;
	_ =	strace $0x9FFFFFFF  }
0xc2: {  	(tm) =	ssettm $0x7FFFFFFF  }
0xc3: {  	_ =	shalt  }
tec
execute0_lowered:
.L_overlay_start_1:
0x0: {  	(tag) =	ssettag $0x1  }
0x1: {  	s4 =	rddreg [dreg:$0x0]  }
0x2: {  	s8 =	rddreg [dreg:$0x1];
	s2 =	srdreg.scid  }
0x3: {  	s0 =	rddreg [dreg:$0x2];
	s1 =	stileid.u32  }
0x4: {  	s11 =	simm.s32 $0x200;
	s12 =	simm.s32 $0x400;
	s13 =	simm.s32 $0x600  }
0x5: {  	s14 =	simm.s32 $0x4600;
	s15 =	simm.s32 $0x8600;
	s16 =	simm.s32 $0x1  }
0x6: {  	s17 =	simm.s32 $0xC600;
	s18 =	simm.s32 $0x0;
	s3 =	sand.u32 $0x1, s2  }
0x7: {  	s2 =	simm.s32 $0x0;
	s5 =	sshll.u32 s1, $0x7;
	s6 =	sshll.u32 s3, $0x6  }
0x8: {  	[smem:$0x7FF] =	sst s2;
	s30 =	ssub.s32 $0x2, s3;
	s3 =	sadd.s32 $0x1314600, s4  }
0x9: {  	s9 =	sor.u32 s6, s5;
	_ =	strace $0x80000047;
	s31 =	sshrl.u32 s30, $0x1  }
0xa: {  	s7 =	sadd.s32 s9, s4;
	s4 =	sadd.s32 $0xF43C00, s4;
	s10 =	ssub.s32 s30, s31  }
0xb: {  	v0 =	vlaneseq.u32;
	s8 =	sadd.s32 s8, s9;
	s5 =	sadd.s32 $0x1000, s7;
	s6 =	sadd.s32 $0x800, s7  }
0xc: {  	v0 =	vmul.u32 $0x20, v0;
	s7 =	sadd.s32 $0x1800, s7;
	s9 =	smax.u32 s10, $0x1;
	s10 =	simm.s32 $0x2  }
.LBB2_1:
0xd: {  	[tilespmem:s2], [sflag:$0x2] =	stream.linear.gather [hbm4b:s5+s2], $0x200, $0x38;
	[tilespmem:$0xC800] =	vst v63  }
0xe: {  	_ =	swait.ge [sflag:s10], $0x200  }
0xf: {  	[sflag:s10] =	ssyncset.done $0x0  }
0x10: {  	[sflag:s10] =	ssyncadd.s32 $0xFFFFFE00  }
0x11: {  	[tilespmem:s11], [sflag:$0x2] =	stream.linear.gather [hbm4b:s6+s2], $0x200, $0x38;
	[tilespmem:$0xC800] =	vst v63  }
0x12: {  	_ =	swait.ge [sflag:s10], $0x200  }
0x13: {  	[sflag:s10] =	ssyncset.done $0x0  }
0x14: {  	[sflag:s10] =	ssyncadd.s32 $0xFFFFFE00  }
0x15: {  	[tilespmem:s12], [sflag:$0x2] =	stream.linear.gather [hbm4b:s7+s2], $0x200, $0x38;
	[tilespmem:$0xC800] =	vst v63  }
0x16: {  	_ =	swait.ge [sflag:s10], $0x200  }
0x17: {  	[sflag:s10] =	ssyncset.done $0x0  }
0x18: {  	[sflag:s10] =	ssyncadd.s32 $0xFFFFFE00  }
0x19: {  	[tilespmem:s13], [sflag:$0x1] =	stream.indirect.gather [hbm4b:s3+s11], $0x20, s2, s11, $0xb8;
	[tilespmem:$0xC800] =	vst v63  }
0x1a: {  	_ = 	snop  }
0x1b: {  	[tilespmem:s14], [sflag:$0x1] =	stream.indirect.gather [hbm4b:s4+s11], $0x20, s11, s11, $0xb8;
	[tilespmem:$0xC800] =	vst v63  }
0x1c: {  	_ = 	snop  }
0x1d: {  	[tilespmem:s15], [sflag:$0x1] =	stream.indirect.gather [hbm4b:s4+s11], $0x20, s12, s11, $0xb8;
	[tilespmem:$0xC800] =	vst v63  }
0x1e: {  	_ =	swait.ge [sflag:s16], $0x4000  }
0x1f: {  	[sflag:s16] =	ssyncset.done $0x0  }
0x20: {  	[sflag:s16] =	ssyncadd.s32 $0xFFFFC000  }
0x21: {  	_ =	swait.ge [sflag:s16], $0x4000  }
0x22: {  	[sflag:s16] =	ssyncset.done $0x0  }
0x23: {  	[sflag:s16] =	ssyncadd.s32 $0xFFFFC000  }
0x24: {  	_ =	swait.ge [sflag:s16], $0x4000  }
0x25: {  	[sflag:s16] =	ssyncset.done $0x0  }
0x26: {  	s19 =	simm.s32 $0xC600;
	s20 =	simm.s32 $0x0;
	[sflag:s16] =	ssyncadd.s32 $0xFFFFC000  }
.LBB2_2:
0x27: {  	v1 =	vmov s20  }
0x28: {  	v1 =	vshll.u32 v1, $0x5  }
0x29: {  	v1 =	vor.u32 v0, v1;
	_ =	sdelay $0x2  }
0x2a: {  	v2 =	vor.u32 $0x1, v1;
	_ =	sdelay $0x1  }
0x2b: {  	v3 =	vld.idx.msk [tilespmem:v1+s13+$0x0], $0xffff  }
0x2c: {  	v5 =	vor.u32 $0x2, v1;
	v4 =	vld.idx.msk [tilespmem:v1+s14+$0x0], $0xffff  }
0x2d: {  	v6 =	vld.idx.msk [tilespmem:v1+s15+$0x0], $0xffff  }
0x2e: {  	v7 =	vld.idx.msk [tilespmem:v2+s13+$0x0], $0xffff  }
0x2f: {  	v9 =	vor.u32 $0x3, v1;
	v8 =	vld.idx.msk [tilespmem:v2+s14+$0x0], $0xffff  }
0x30: {  	v2 =	vld.idx.msk [tilespmem:v2+s15+$0x0], $0xffff  }
0x31: {  	v10 =	vld.idx.msk [tilespmem:v5+s13+$0x0], $0xffff  }
0x32: {  	v14 =	vor.u32 $0x4, v1;
	v13 =	vld.idx.msk [tilespmem:v5+s14+$0x0], $0xffff  }
0x33: {  	v5 =	vld.idx.msk [tilespmem:v5+s15+$0x0], $0xffff  }
0x34: {  	v16 =	vld.idx.msk [tilespmem:v9+s13+$0x0], $0xffff  }
0x35: {  	v19 =	vor.u32 $0x5, v1;
	v18 =	vld.idx.msk [tilespmem:v9+s14+$0x0], $0xffff  }
0x36: {  	v9 =	vld.idx.msk [tilespmem:v9+s15+$0x0], $0xffff;
	v11 =	vmul.f32 v3, v3  }
0x37: {  	v48 =	vld.idx.msk [tilespmem:v14+s13+$0x0], $0xffff;
	v12 =	vmul.f32 v4, v4;
	v15 =	vmul.f32 v6, v6  }
0x38: {  	v20 =	vor.u32 $0x6, v1;
	v50 =	vld.idx.msk [tilespmem:v14+s14+$0x0], $0xffff;
	v4 =	vmul.f32 v4, v3;
	v3 =	vmul.f32 v6, v3  }
0x39: {  	v51 =	vld.idx.msk [tilespmem:v14+s15+$0x0], $0xffff;
	v46 =	vmul.f32 v7, v7;
	v17 =	vmul.f32 v8, v8  }
0x3a: {  	v55 =	vor.u32 $0x7, v1;
	v53 =	vld.idx.msk [tilespmem:v19+s13+$0x0], $0xffff;
	v47 =	vmul.f32 v2, v2;
	v8 =	vmul.f32 v8, v7  }
0x3b: {  	v54 =	vld.idx.msk [tilespmem:v19+s14+$0x0], $0xffff;
	v2 =	vmul.f32 v2, v7;
	v49 =	vmul.f32 v10, v10  }
0x3c: {  	v43 =	vor.u32 $0xA, v1;
	v57 =	vld.idx.msk [tilespmem:v19+s15+$0x0], $0xffff;
	v52 =	vmul.f32 v5, v5;
	v5 =	vmul.f32 v5, v10  }
0x3d: {  	v21 =	vld.idx.msk [tilespmem:v20+s13+$0x0], $0xffff;
	v56 =	vmul.f32 v16, v16;
	v58 =	vmul.f32 v18, v18  }
0x3e: {  	v23 =	vor.u32 $0x9, v1;
	v61 =	vld.idx.msk [tilespmem:v20+s14+$0x0], $0xffff;
	v59 =	vmul.f32 v9, v9;
	v60 =	vmul.f32 v18, v16  }
0x3f: {  	v37 =	vld.idx.msk [tilespmem:v55+s13+$0x0], $0xffff;
	v9 =	vmul.f32 v9, v16;
	v35 =	vmul.f32 v48, v48  }
0x40: {  	v22 =	vor.u32 $0x8, v1;
	v36 =	vmul.f32 v50, v50;
	v38 =	vmul.f32 v51, v51  }
0x41: {  	v26 =	vor.u32 $0xB, v1;
	v14 =	vld.idx.msk [tilespmem:v43+s13+$0x0], $0xffff;
	v40 =	vmul.f32 v50, v48;
	v7 =	vmul.f32 v51, v48  }
0x42: {  	v27 =	vor.u32 $0xC, v1;
	v63 =	vld.idx.msk [tilespmem:v20+s15+$0x0], $0xffff;
	v41 =	vmul.f32 v53, v53;
	v42 =	vmul.f32 v54, v54  }
0x43: {  	v32 =	vor.u32 $0xD, v1;
	v25 =	vld.idx.msk [tilespmem:v23+s14+$0x0], $0xffff;
	v44 =	vmul.f32 v57, v57;
	v45 =	vmul.f32 v21, v21  }
0x44: {  	v34 =	vor.u32 $0x13, v1;
	v24 =	vmul.f32 v61, v61;
	v48 =	vmul.f32 v37, v37  }
0x45: {  	v50 =	vmul.f32 v61, v21;
	v4 =	vadd.f32 $0.0e+00, v4;
	v3 =	vadd.f32 $0.0e+00, v3  }
0x46: {  	v61 =	vmul.f32 v14, v14;
	v6 =	vadd.f32 v46, v11;
	v12 =	vadd.f32 v17, v12  }
0x47: {  	v39 =	vld.idx.msk [tilespmem:v55+s14+$0x0], $0xffff;
	v11 =	vadd.f32 v47, v15;
	v46 =	vmul.f32 v57, v53;
	v47 =	vmul.f32 v63, v63  }
0x48: {  	v28 =	vld.idx.msk [tilespmem:v43+s14+$0x0], $0xffff;
	v57 =	vmul.f32 v25, v25;
	v2 =	vadd.f32 v2, v3;
	v3 =	vmul.f32 v13, v13  }
0x49: {  	v16 =	vld.idx.msk [tilespmem:v22+s14+$0x0], $0xffff;
	v4 =	vadd.f32 v8, v4;
	v13 =	vmul.f32 v13, v10;
	v6 =	vadd.f32 v49, v6  }
0x4a: {  	v31 =	vld.idx.msk [tilespmem:v26+s14+$0x0], $0xffff;
	v10 =	vmul.f32 v54, v53;
	v11 =	vadd.f32 v52, v11;
	v3 =	vadd.f32 v3, v12  }
0x4b: {  	v17 =	vld.idx.msk [tilespmem:v43+s15+$0x0], $0xffff;
	v54 =	vmul.f32 v63, v21;
	v4 =	vadd.f32 v13, v4;
	v2 =	vadd.f32 v5, v2  }
0x4c: {  	v21 =	vld.idx.msk [tilespmem:v26+s15+$0x0], $0xffff;
	v63 =	vor.u32 $0xF, v1;
	v6 =	vadd.f32 v56, v6;
	v62 =	vadd.f32 v59, v11  }
0x4d: {  	v49 =	vmul.f32 v39, v39;
	v12 =	vld.idx.msk [tilespmem:v55+s15+$0x0], $0xffff;
	v4 =	vadd.f32 v60, v4;
	v2 =	vadd.f32 v9, v2  }
0x4e: {  	v53 =	vmul.f32 v16, v16;
	v3 =	vadd.f32 v58, v3;
	v9 =	vld.idx.msk [tilespmem:v22+s13+$0x0], $0xffff;
	v6 =	vadd.f32 v35, v6  }
0x4f: {  	v58 =	vor.u32 $0xE, v1;
	v4 =	vadd.f32 v40, v4;
	v2 =	vadd.f32 v7, v2;
	v7 =	vld.idx.msk [tilespmem:v22+s15+$0x0], $0xffff  }
0x50: {  	v59 =	vmul.f32 v39, v37;
	v5 =	vadd.f32 v38, v62;
	v3 =	vadd.f32 v36, v3;
	v22 =	vld.idx.msk [tilespmem:v23+s13+$0x0], $0xffff  }
0x51: {  	v62 =	vmul.f32 v28, v28;
	v6 =	vadd.f32 v41, v6;
	v4 =	vadd.f32 v10, v4;
	v10 =	vld.idx.msk [tilespmem:v23+s15+$0x0], $0xffff  }
0x52: {  	v5 =	vadd.f32 v44, v5;
	v51 =	vmul.f32 v12, v12;
	v19 =	vmul.f32 v12, v37;
	v23 =	vld.idx.msk [tilespmem:v26+s13+$0x0], $0xffff  }
0x53: {  	v37 =	vmul.f32 v17, v17;
	v3 =	vadd.f32 v42, v3;
	v2 =	vadd.f32 v46, v2;
	v26 =	vld.idx.msk [tilespmem:v27+s14+$0x0], $0xffff  }
0x54: {  	v44 =	vmul.f32 v31, v31;
	v6 =	vadd.f32 v45, v6;
	v5 =	vadd.f32 v47, v5;
	v40 =	vld.idx.msk [tilespmem:v58+s13+$0x0], $0xffff  }
0x55: {  	v52 =	vmul.f32 v9, v9;
	v35 =	vld.idx.msk [tilespmem:v58+s14+$0x0], $0xffff;
	v45 =	vor.u32 $0x10, v1;
	v46 =	vmul.f32 v16, v9  }
0x56: {  	v41 =	vld.idx.msk [tilespmem:v58+s15+$0x0], $0xffff;
	v58 =	vor.u32 $0x12, v1;
	v3 =	vadd.f32 v24, v3;
	v4 =	vadd.f32 v50, v4  }
0x57: {  	v2 =	vadd.f32 v54, v2;
	v6 =	vadd.f32 v48, v6;
	v55 =	vmul.f32 v7, v7  }
0x58: {  	v5 =	vadd.f32 v51, v5;
	v56 =	vmul.f32 v22, v22;
	v48 =	vmul.f32 v21, v21  }
0x59: {  	v30 =	vld.idx.msk [tilespmem:v32+s13+$0x0], $0xffff;
	v51 =	vor.u32 $0x11, v1;
	v3 =	vadd.f32 v49, v3;
	v4 =	vadd.f32 v59, v4  }
0x5a: {  	v24 =	vld.idx.msk [tilespmem:v27+s13+$0x0], $0xffff;
	v2 =	vadd.f32 v19, v2;
	v60 =	vmul.f32 v10, v10;
	v38 =	vmul.f32 v23, v23  }
0x5b: {  	v27 =	vld.idx.msk [tilespmem:v27+s15+$0x0], $0xffff;
	v6 =	vadd.f32 v52, v6;
	v50 =	vmul.f32 v26, v26;
	v52 =	vmul.f32 v7, v9  }
0x5c: {  	v29 =	vld.idx.msk [tilespmem:v32+s14+$0x0], $0xffff;
	v5 =	vadd.f32 v55, v5;
	v10 =	vmul.f32 v10, v22;
	v31 =	vmul.f32 v31, v23  }
0x5d: {  	v33 =	vld.idx.msk [tilespmem:v63+s14+$0x0], $0xffff;
	v23 =	vmul.f32 v21, v23;
	v3 =	vadd.f32 v53, v3;
	v42 =	vmul.f32 v41, v41  }
0x5e: {  	v36 =	vld.idx.msk [tilespmem:v32+s15+$0x0], $0xffff;
	v4 =	vadd.f32 v46, v4;
	v46 =	vmul.f32 v28, v14;
	v14 =	vmul.f32 v17, v14  }
0x5f: {  	v13 =	vld.idx.msk [tilespmem:v63+s15+$0x0], $0xffff;
	v6 =	vadd.f32 v56, v6;
	v5 =	vadd.f32 v60, v5;
	v49 =	vmul.f32 v24, v24  }
0x60: {  	v7 =	vld.idx.msk [tilespmem:v45+s14+$0x0], $0xffff;
	v55 =	vmul.f32 v27, v27;
	v59 =	vadd.f32 v52, v2;
	v60 =	vmul.f32 v25, v22  }
0x61: {  	v11 =	vld.idx.msk [tilespmem:v45+s15+$0x0], $0xffff;
	v56 =	vmul.f32 v30, v30;
	v3 =	vadd.f32 v57, v3;
	v6 =	vadd.f32 v61, v6  }
0x62: {  	v8 =	vld.idx.msk [tilespmem:v58+s14+$0x0], $0xffff;
	v57 =	vmul.f32 v29, v29;
	v5 =	vadd.f32 v37, v5;
	v37 =	vadd.f32 v60, v4  }
0x63: {  	v17 =	vld.idx.msk [tilespmem:v34+s15+$0x0], $0xffff;
	v61 =	vmul.f32 v36, v36;
	v32 =	vadd.f32 v10, v59;
	v3 =	vadd.f32 v62, v3  }
0x64: {  	v2 =	vld.idx.msk [tilespmem:v51+s13+$0x0], $0xffff;
	v62 =	vmul.f32 v40, v40;
	v47 =	vadd.f32 v38, v6;
	v5 =	vadd.f32 v48, v5  }
0x65: {  	v6 =	vld.idx.msk [tilespmem:v63+s13+$0x0], $0xffff;
	v63 =	vmul.f32 v35, v35;
	v37 =	vadd.f32 v46, v37;
	v3 =	vadd.f32 v44, v3  }
0x66: {  	v15 =	vld.idx.msk [tilespmem:v51+s14+$0x0], $0xffff;
	v48 =	vmul.f32 v13, v13;
	v53 =	vadd.f32 v49, v47;
	v5 =	vadd.f32 v55, v5  }
0x67: {  	v38 =	vmul.f32 v7, v7;
	v32 =	vadd.f32 v14, v32;
	v54 =	vadd.f32 v50, v3;
	v3 =	vld.idx.msk [tilespmem:v45+s13+$0x0], $0xffff  }
0x68: {  	v4 =	vld.idx.msk [tilespmem:v58+s13+$0x0], $0xffff;
	v45 =	vor.u32 $0x14, v1;
	v9 =	vadd.f32 v56, v53;
	v16 =	vadd.f32 v61, v5  }
0x69: {  	v46 =	vmul.f32 v26, v24;
	v44 =	vmul.f32 v33, v33;
	v5 =	vld.idx.msk [tilespmem:v51+s15+$0x0], $0xffff;
	v12 =	vadd.f32 v57, v54  }
0x6a: {  	v43 =	vmul.f32 v6, v6;
	v9 =	vadd.f32 v62, v9;
	v47 =	vadd.f32 v42, v16;
	v16 =	vld.idx.msk [tilespmem:v34+s14+$0x0], $0xffff  }
0x6b: {  	v52 =	vmul.f32 v2, v2;
	v42 =	vor.u32 $0x16, v1;
	v39 =	vadd.f32 v63, v12;
	v12 =	vld.idx.msk [tilespmem:v58+s15+$0x0], $0xffff  }
0x6c: {  	v51 =	vmul.f32 v11, v11;
	v19 =	vadd.f32 v43, v9;
	v9 =	vld.idx.msk [tilespmem:v34+s13+$0x0], $0xffff;
	v49 =	vmul.f32 v3, v3  }
0x6d: {  	v53 =	vmul.f32 v15, v15;
	v56 =	vmul.f32 v4, v4;
	v10 =	vld.idx.msk [tilespmem:v45+s13+$0x0], $0xffff;
	v18 =	vadd.f32 v44, v39  }
0x6e: {  	v20 =	vadd.f32 v48, v47;
	v47 =	vor.u32 $0x19, v1;
	v22 =	vadd.f32 v49, v19;
	v19 =	vld.idx.msk [tilespmem:v45+s14+$0x0], $0xffff  }
0x6f: {  	v15 =	vmul.f32 v15, v2;
	v39 =	vor.u32 $0x15, v1;
	v50 =	vadd.f32 v38, v18;
	v18 =	vld.idx.msk [tilespmem:v45+s15+$0x0], $0xffff  }
0x70: {  	v31 =	vadd.f32 v31, v37;
	v57 =	vmul.f32 v8, v8;
	v8 =	vmul.f32 v8, v4;
	v21 =	vld.idx.msk [tilespmem:v42+s13+$0x0], $0xffff  }
0x71: {  	v32 =	vadd.f32 v23, v32;
	v63 =	vmul.f32 v17, v17;
	v48 =	vmul.f32 v27, v24;
	v25 =	vld.idx.msk [tilespmem:v42+s14+$0x0], $0xffff  }
0x72: {  	v7 =	vmul.f32 v7, v3;
	v3 =	vmul.f32 v11, v3;
	v44 =	vor.u32 $0x17, v1;
	v26 =	vld.idx.msk [tilespmem:v42+s15+$0x0], $0xffff  }
0x73: {  	v46 =	vadd.f32 v46, v31;
	v55 =	vmul.f32 v5, v5;
	v49 =	vmul.f32 v29, v30;
	v29 =	vld.idx.msk [tilespmem:v47+s13+$0x0], $0xffff  }
0x74: {  	v43 =	vadd.f32 v51, v20;
	v48 =	vadd.f32 v48, v32;
	v45 =	vor.u32 $0x18, v1;
	v14 =	vld.idx.msk [tilespmem:v39+s13+$0x0], $0xffff  }
0x75: {  	v51 =	vor.u32 $0x1C, v1;
	v61 =	vmul.f32 v16, v16;
	v54 =	vadd.f32 v52, v22;
	v20 =	vld.idx.msk [tilespmem:v39+s14+$0x0], $0xffff  }
0x76: {  	v58 =	vadd.f32 v55, v43;
	v59 =	vmul.f32 v12, v12;
	v46 =	vadd.f32 v49, v46;
	v22 =	vld.idx.msk [tilespmem:v39+s15+$0x0], $0xffff  }
0x77: {  	v28 =	vadd.f32 v53, v50;
	v60 =	vmul.f32 v9, v9;
	v34 =	vadd.f32 v56, v54;
	v23 =	vld.idx.msk [tilespmem:v44+s13+$0x0], $0xffff  }
0x78: {  	v52 =	vmul.f32 v10, v10;
	v50 =	vor.u32 $0x1B, v1;
	v37 =	vadd.f32 v59, v58;
	v31 =	vld.idx.msk [tilespmem:v44+s15+$0x0], $0xffff  }
0x79: {  	v28 =	vadd.f32 v57, v28;
	v53 =	vmul.f32 v19, v19;
	v34 =	vadd.f32 v60, v34;
	v24 =	vld.idx.msk [tilespmem:v45+s13+$0x0], $0xffff  }
0x7a: {  	v37 =	vadd.f32 v63, v37;
	v54 =	vmul.f32 v18, v18;
	v27 =	vld.idx.msk [tilespmem:v45+s14+$0x0], $0xffff;
	v59 =	vmul.f32 v21, v21  }
0x7b: {  	v60 =	vmul.f32 v25, v25;
	v62 =	vadd.f32 v61, v28;
	v28 =	vld.idx.msk [tilespmem:v44+s14+$0x0], $0xffff;
	v44 =	vor.u32 $0x1A, v1  }
0x7c: {  	v32 =	vld.idx.msk [tilespmem:v45+s15+$0x0], $0xffff;
	v63 =	vmul.f32 v26, v26;
	v34 =	vadd.f32 v52, v34;
	v55 =	vmul.f32 v14, v14  }
0x7d: {  	v61 =	vmul.f32 v36, v30;
	v36 =	vld.idx.msk [tilespmem:v47+s15+$0x0], $0xffff;
	v38 =	vadd.f32 v53, v62;
	v56 =	vmul.f32 v20, v20  }
0x7e: {  	v37 =	vadd.f32 v54, v37;
	v58 =	vmul.f32 v22, v22;
	v57 =	vadd.f32 v55, v34;
	v34 =	vld.idx.msk [tilespmem:v47+s14+$0x0], $0xffff  }
0x7f: {  	v54 =	vmul.f32 v23, v23;
	v38 =	vadd.f32 v56, v38;
	v56 =	vmul.f32 v35, v40;
	v35 =	vld.idx.msk [tilespmem:v50+s13+$0x0], $0xffff  }
0x80: {  	v48 =	vadd.f32 v61, v48;
	v53 =	vor.u32 $0x1D, v1;
	v37 =	vadd.f32 v58, v37;
	v30 =	vld.idx.msk [tilespmem:v44+s13+$0x0], $0xffff  }
0x81: {  	v58 =	vmul.f32 v31, v31;
	v52 =	vmul.f32 v27, v27;
	v62 =	vadd.f32 v60, v38;
	v38 =	vld.idx.msk [tilespmem:v44+s14+$0x0], $0xffff  }
0x82: {  	v55 =	vmul.f32 v28, v28;
	v39 =	vadd.f32 v59, v57;
	v43 =	vadd.f32 v63, v37;
	v37 =	vld.idx.msk [tilespmem:v44+s15+$0x0], $0xffff  }
0x83: {  	v59 =	vmul.f32 v24, v24;
	v49 =	vadd.f32 v56, v46;
	v60 =	vmul.f32 v41, v40;
	v41 =	vld.idx.msk [tilespmem:v50+s15+$0x0], $0xffff  }
0x84: {  	v40 =	vld.idx.msk [tilespmem:v51+s13+$0x0], $0xffff;
	v63 =	vmul.f32 v29, v29;
	v57 =	vadd.f32 v54, v39;
	v42 =	vadd.f32 v55, v62  }
0x85: {  	v45 =	vld.idx.msk [tilespmem:v53+s14+$0x0], $0xffff;
	v43 =	vadd.f32 v58, v43;
	v62 =	vmul.f32 v32, v32;
	v54 =	vor.u32 $0x1E, v1  }
0x86: {  	v39 =	vld.idx.msk [tilespmem:v50+s14+$0x0], $0xffff;
	v55 =	vadd.f32 v60, v48;
	v56 =	vmul.f32 v35, v35;
	v44 =	vadd.f32 v59, v57  }
0x87: {  	v61 =	vadd.f32 v52, v42;
	v57 =	vmul.f32 v34, v34;
	v42 =	vld.idx.msk [tilespmem:v51+s14+$0x0], $0xffff;
	v58 =	vadd.f32 v62, v43  }
0x88: {  	v59 =	vmul.f32 v36, v36;
	v43 =	vld.idx.msk [tilespmem:v51+s15+$0x0], $0xffff;
	v52 =	vor.u32 $0x1F, v1;
	v62 =	vmul.f32 v38, v38  }
0x89: {  	v1 =	vld.idx.msk [tilespmem:v53+s15+$0x0], $0xffff;
	v60 =	vadd.f32 v63, v44;
	v50 =	vadd.f32 v57, v61;
	v61 =	vmul.f32 v30, v30  }
0x8a: {  	v44 =	vld.idx.msk [tilespmem:v53+s13+$0x0], $0xffff;
	v46 =	vadd.f32 v59, v58;
	v63 =	vmul.f32 v37, v37;
	v57 =	vmul.f32 v41, v41  }
0x8b: {  	v58 =	vmul.f32 v40, v40;
	v48 =	vadd.f32 v61, v60;
	v60 =	vmul.f32 v33, v6;
	v33 =	vld.idx.msk [tilespmem:v54+s13+$0x0], $0xffff  }
0x8c: {  	v47 =	vadd.f32 v62, v50;
	v61 =	vmul.f32 v39, v39;
	v51 =	vadd.f32 v63, v46;
	v46 =	vld.idx.msk [tilespmem:v54+s14+$0x0], $0xffff  }
0x8d: {  	v6 =	vmul.f32 v13, v6;
	v59 =	vmul.f32 v42, v42;
	v56 =	vadd.f32 v56, v48;
	v48 =	vld.idx.msk [tilespmem:v54+s15+$0x0], $0xffff  }
0x8e: {  	v62 =	vmul.f32 v43, v43;
	v50 =	vadd.f32 v61, v47;
	v53 =	vadd.f32 v60, v49;
	v47 =	vld.idx.msk [tilespmem:v52+s13+$0x0], $0xffff  }
0x8f: {  	v51 =	vadd.f32 v57, v51;
	v49 =	vld.idx.msk [tilespmem:v52+s14+$0x0], $0xffff;
	v63 =	vmul.f32 v44, v44;
	v56 =	vadd.f32 v58, v56  }
0x90: {  	v60 =	vmul.f32 v45, v45;
	v61 =	vmul.f32 v1, v1;
	v57 =	vadd.f32 v59, v50;
	v50 =	vld.idx.msk [tilespmem:v52+s15+$0x0], $0xffff  }
0x91: {  	v51 =	vadd.f32 v62, v51;
	v62 =	vadd.f32 v63, v56;
	v63 =	vmul.f32 v33, v33  }
0x92: {  	v55 =	vadd.f32 v6, v55;
	v54 =	vadd.f32 v60, v57;
	v60 =	vmul.f32 v46, v46  }
0x93: {  	v51 =	vadd.f32 v61, v51;
	v61 =	vmul.f32 v48, v48;
	v13 =	vadd.f32 v63, v62  }
0x94: {  	v62 =	vmul.f32 v47, v47;
	v54 =	vadd.f32 v60, v54;
	v63 =	vmul.f32 v49, v49  }
0x95: {  	v7 =	vadd.f32 v7, v53;
	v51 =	vadd.f32 v61, v51;
	v60 =	vmul.f32 v50, v50  }
0x96: {  	v2 =	vmul.f32 v5, v2;
	v6 =	vadd.f32 v62, v13;
	v11 =	vadd.f32 v63, v54  }
0x97: {  	v4 =	vmul.f32 v12, v4;
	v3 =	vadd.f32 v3, v55;
	v13 =	vadd.f32 v60, v51  }
0x98: {  	v61 =	vshra.s32 v6, $0x1;
	v52 =	vmul.f32 $5.000000000e-01, v6;
	v54 =	vshra.s32 v11, $0x1  }
0x99: {  	v56 =	vmul.f32 $5.000000000e-01, v11;
	v51 =	vsub.s32 $0x5F3759DF, v61;
	v62 =	vshra.s32 v13, $0x1  }
0x9a: {  	v58 =	vmul.f32 $5.000000000e-01, v13;
	v54 =	vsub.s32 $0x5F3759DF, v54;
	v59 =	vmul.f32 v51, v52  }
0x9b: {  	v2 =	vadd.f32 v2, v3;
	v57 =	vsub.s32 $0x5F3759DF, v62;
	v53 =	vmul.f32 v54, v56  }
0x9c: {  	v60 =	vmul.f32 v57, v58;
	v63 =	vmul.f32 v51, v59  }
0x9d: {  	v3 =	vmul.f32 v17, v9;
	v2 =	vadd.f32 v4, v2;
	v59 =	vmul.f32 v54, v53  }
0x9e: {  	v7 =	vadd.f32 v15, v7;
	v61 =	vmul.f32 v57, v60;
	v5 =	vsub.f32 $1.500000000e+00, v63  }
0x9f: {  	v55 =	vmul.f32 v19, v10;
	v2 =	vadd.f32 v3, v2;
	v15 =	vsub.f32 $1.500000000e+00, v59  }
0xa0: {  	v3 =	vmul.f32 v18, v10;
	v63 =	vsub.f32 $1.500000000e+00, v61;
	v5 =	vmul.f32 v51, v5  }
0xa1: {  	v7 =	vadd.f32 v8, v7;
	v62 =	vmul.f32 v16, v9;
	v53 =	vmul.f32 v54, v15  }
0xa2: {  	v2 =	vadd.f32 v3, v2;
	v54 =	vmul.f32 v57, v63;
	v57 =	vmul.f32 v5, v52  }
0xa3: {  	v3 =	vmul.f32 v26, v21;
	v7 =	vadd.f32 v62, v7;
	v59 =	vmul.f32 v53, v56  }
0xa4: {  	v16 =	vmul.f32 v54, v58;
	v60 =	vmul.f32 v57, v5  }
0xa5: {  	v4 =	vadd.f32 v55, v7;
	v55 =	vmul.f32 v37, v30;
	v61 =	vmul.f32 v59, v53  }
0xa6: {  	v51 =	vmul.f32 v32, v24;
	v62 =	vmul.f32 v16, v54;
	v10 =	vsub.f32 $1.500000000e+00, v60  }
0xa7: {  	v63 =	vmul.f32 v20, v14;
	v14 =	vmul.f32 v22, v14;
	v7 =	vsub.f32 $1.500000000e+00, v61  }
0xa8: {  	v20 =	vmul.f32 v25, v21;
	v12 =	vsub.f32 $1.500000000e+00, v62;
	v5 =	vmul.f32 v10, v5  }
0xa9: {  	v22 =	vmul.f32 v28, v23;
	v4 =	vadd.f32 v63, v4;
	v7 =	vmul.f32 v7, v53  }
0xaa: {  	v2 =	vadd.f32 v14, v2;
	v21 =	vmul.f32 v12, v54;
	v10 =	vmul.f32 v5, v52  }
0xab: {  	v23 =	vmul.f32 v31, v23;
	v4 =	vadd.f32 v20, v4;
	v25 =	vmul.f32 v7, v56  }
0xac: {  	v2 =	vadd.f32 v3, v2;
	v26 =	vmul.f32 v21, v58;
	v3 =	vmul.f32 v10, v5  }
0xad: {  	v31 =	vmul.f32 v27, v24;
	v28 =	vmul.f32 v25, v7  }
0xae: {  	v4 =	vadd.f32 v22, v4;
	v10 =	vmul.f32 v26, v21;
	v3 =	vsub.f32 $1.500000000e+00, v3  }
0xaf: {  	v2 =	vadd.f32 v23, v2;
	v53 =	vmul.f32 v36, v29;
	v9 =	vsub.f32 $1.500000000e+00, v28  }
0xb0: {  	v54 =	vmul.f32 v38, v30;
	v10 =	vsub.f32 $1.500000000e+00, v10;
	v3 =	vmul.f32 v3, v5  }
0xb1: {  	v2 =	vadd.f32 v51, v2;
	v52 =	vmul.f32 v34, v29;
	v7 =	vmul.f32 v9, v7  }
0xb2: {  	v4 =	vadd.f32 v31, v4;
	v8 =	vmul.f32 v10, v21;
	v3 =	vmul.f32 v3, v6  }
0xb3: {  	v56 =	vmul.f32 v41, v35;
	v2 =	vadd.f32 v53, v2;
	v7 =	vmul.f32 v7, v11  }
0xb4: {  	v4 =	vadd.f32 v52, v4;
	v8 =	vmul.f32 v8, v13;
	v3 =	vadd.f32 $1.000000010e-07, v3  }
0xb5: {  	v58 =	vmul.f32 v43, v40;
	v2 =	vadd.f32 v55, v2;
	v7 =	vadd.f32 $1.000000010e-07, v7  }
0xb6: {  	v4 =	vadd.f32 v54, v4;
	v8 =	vadd.f32 $1.000000010e-07, v8;
	(erf) = vrcp.f32 v3  }
0xb7: {  	v2 =	vadd.f32 v56, v2;
	v3 =	vmul.f32 v39, v35;
	(erf) = vrcp.f32 v7  }
0xb8: {  	v1 =	vmul.f32 v1, v44;
	(erf) = vrcp.f32 v8  }
0xb9: {  	v57 =	vmul.f32 v42, v40;
	v2 =	vadd.f32 v58, v2;
	v3 =	vadd.f32 v3, v4  }
0xba: {  	v59 =	vmul.f32 v45, v44  }
0xbb: {  	v1 =	vadd.f32 v1, v2;
	v2 =	vmul.f32 v48, v33;
	v3 =	vadd.f32 v57, v3  }
0xbc: {  	v60 =	vmul.f32 v46, v33  }
0xbd: {  	v1 =	vadd.f32 v2, v1;
	v2 =	vmul.f32 v50, v47;
	v3 =	vadd.f32 v59, v3;
	_ =	sdelay $0x1  }
0xbe: {  	v61 =	vmul.f32 v49, v47;
	v3 =	vadd.f32 v60, v3;
	v62 =	vpop (erf)  }
0xbf: {  	vm0 =	vgt.f32 v11, $1.000000000e+00;
	v7 =	vpop (erf)  }
0xc0: {  	vm1 =	vgt.f32 v13, $1.000000000e+00;
	v1 =	vadd.f32 v2, v1;
	v3 =	vadd.f32 v61, v3;
	v2 =	vpop (erf)  }
0xc1: {  	v63 =	vnsel vm0, $0x3F800000, v7;
	v2 =	vnsel vm1, $0x3F800000, v2  }
0xc2: {  	v3 =	vmul.f32 v63, v3;
	v1 =	vmul.f32 v2, v1;
	_ =	sdelay $0x1  }
0xc3: {  	vm15 =	vgt.f32 v6, $1.000000000e+00;
	v1 =	vsub.f32 v3, v1  }
0xc4: {  	v2 =	vnsel vm15, $0x3F800000, v62  }
0xc5: {  	v1 =	vmul.f32 v1, v2;
	_ =	sdelay $0x1  }
0xc6: {  	v1 =	vsub.f32 $0.0e+00, v1;
	_ =	sdelay $0x1  }
0xc7: {  	v1 =	vmul.f32 $1.442695020e+00, v1;
	_ =	sdelay $0x1  }
0xc8: {  	(erf) = vpow2.f32 v1;
	_ =	sdelay $0x8  }
0xc9: {  	v1 =	vpop (erf)  }
0xca: {  	v1 =	vadd.f32 $1.000000000e+00, v1;
	_ =	sdelay $0x1  }
0xcb: {  	(erf) = vrcp.f32 v1;
	_ =	sdelay $0x4  }
0xcc: {  	p0 =	sne.s32 s20, $0x1F0  }
.Ltmp0:
0xcd: {  	_ = 	snop;
	(pc) =	sbr.rel @p0 .LBB2_2-.Ltmp0, $3  }
0xce: {  	_ =	sdelay $0x1  }
0xcf: {  	v1 =	vpop (erf)  }
0xd0: {  	s20 =	sadd.s32 $0x10, s20;
	[tilespmem:s19+$0x0] =	vst v1;
	s19 =	sadd.s32 $0x10, s19  }
0xd1: {  	s18 =	sadd.s32 $0x1, s18  }
0xd2: {  	p0 =	sne.s32 s18, s9  }
.Ltmp1:
0xd3: {  	_ = 	snop;
	(pc) =	sbr.rel @p0 .LBB2_1-.Ltmp1, $4  }
0xd4: {  	[hbm4b:s8+s2] =	stream.linear.scatter [tilespmem:s17], [sflag:$0x2], $0x200, $0x38;
	[tilespmem:$0xC800] =	vst v63  }
0xd5: {  	_ =	swait.ge [sflag:s10], $0x200  }
0xd6: {  	[sflag:s10] =	ssyncset.done $0x0  }
0xd7: {  	[sflag:s10] =	ssyncadd.s32 $0xFFFFFE00  }
0xd8: {  	_ =	sfence.sel $0x180000  }
0xd9: {  	[bflag:$0x0] =	sbarrier.arrive $0xFFFF  }
0xda: {  	p0 =	sne.s32 s1, $0x0;
	_ =	strace $0x90000047  }
0xdb: {  	s0 =	sadd.s32 @!p0 $0x100000, s0;
	[bflag:$0x2] =	sbarrier.arrive $0xFFFF  }
0xdc: {  	[sflag:s0] =	ssyncadd.tile.s32 @!p0 $0x1;
	_ =	shalt  }
.Lfunc_end2:
_tile_overlayer_lowered:
.L_overlay_start_2:
0xdd: {  	(tag) =	ssettag $0x2  }
0xde: {  	s0 =	rddreg [dreg:$0x0];
	s2 =	stileid.u32  }
0xdf: {  	s1 =	rddreg [dreg:$0x1];
	p0 =	sne.s32 s2, $0x0  }
0xe0: {  	s3 =	rddreg [dreg:$0x2];
	[bflag:$0x3] =	sbarrier.arrive $0xFFFF;
	s2 =	simm.s32 @!p0 $0x1C02  }
0xe1: {  	[timem:s3], [sflag:s2] =	dma.local @!p0 [hbm:s0], s1  }
0xe2: {  	s0 =	simm.s32 @!p0 $0x2  }
0xe3: {  	_ =	swait.ge @!p0 [sflag:s0], s1  }
0xe4: {  	s1 =	ssub.s32 @!p0 $0x0, s1;
	[sflag:s0] =	ssyncset.done @!p0 $0x0  }
0xe5: {  	[sflag:s0] =	ssyncadd.s32 @!p0 s1  }
0xe6: {  	[bflag:$0x3] =	sbarrier.arrive $0xFFFF  }
0xe7: {  	_ =	shalt  }

</sc_bundles>
